<compile_context>
chip_gen: v7x
topology: tpu7x:2x2x1
jax: 0.10.2.dev20260603
libtpu: 0.0.44.dev20260713+nightly
codegen_flags: <defaults>
</compile_context>

<pallas_src>
import functools

import jax
import jax.numpy as jnp
from jax import lax
from jax.experimental import pallas as pl
from jax.experimental.pallas import tpu as pltpu
from jax.experimental.pallas import tpu_sc as plsc

N = 10000
E = 320000
D = 128
H = 128
C = 64

NC = 2
NS = 16
NW = NC * NS
CH = 128
NCHUNK = 79
EPT = CH * NCHUNK
E_PAD = EPT * NW
RPT = 632
N_PAD = RPT * NS

_MESH = plsc.VectorSubcoreMesh(core_axis_name="c", subcore_axis_name="s",
                               num_cores=NC, num_subcores=NS)



@functools.partial(
    pl.kernel,
    mesh=_MESH,
    compiler_params=pltpu.CompilerParams(needs_layout_passes=False),
    out_type=jax.ShapeDtypeStruct((NC, N_PAD, 128), jnp.float32),
    scratch_types=[
        pltpu.VMEM((CH,), jnp.int32),
        pltpu.VMEM((CH,), jnp.float32),
        pltpu.VMEM((CH, 128), jnp.float32),
        pltpu.VMEM_SHARED((N_PAD, 128), jnp.float32),
    ],
)
def _deg_kernel(dst_hbm, w_hbm, out_hbm, dstv, wv, wtile, accum):
    cid = lax.axis_index("c")
    sid = lax.axis_index("s")
    wid = cid * NS + sid

    def zero_row(i, carry):
        for j in range(8):
            wtile[i, pl.ds(16 * j, 16)] = jnp.zeros((16,), jnp.float32)
        return carry

    lax.fori_loop(0, CH, zero_row, 0)
    r0 = sid * RPT
    for k in range(4):
        pltpu.sync_copy(wtile, accum.at[pl.ds(r0 + k * CH, CH)])
    pltpu.sync_copy(wtile.at[pl.ds(0, 120)],
                    accum.at[pl.ds(r0 + 4 * CH, 120)])
    plsc.subcore_barrier()

    base = wid * EPT

    def chunk(ci, carry):
        off = base + ci * CH
        pltpu.sync_copy(dst_hbm.at[pl.ds(off, CH)], dstv)
        pltpu.sync_copy(w_hbm.at[pl.ds(off, CH)], wv)

        def fill(e, c2):
            wtile[e, pl.ds(0, 16)] = plsc.load_gather(
                wv, [jnp.full((16,), e, jnp.int32)])
            return c2

        lax.fori_loop(0, CH, fill, 0)
        pltpu.sync_copy(wtile, accum.at[dstv], add=True)
        return carry

    lax.fori_loop(0, NCHUNK, chunk, 0)
    plsc.subcore_barrier()
    pltpu.sync_copy(accum.at[pl.ds(r0, RPT)],
                    out_hbm.at[cid, pl.ds(r0, RPT)])



def _make_edge_kernel(F):
    nreg = F // 16

    @functools.partial(
        pl.kernel,
        mesh=_MESH,
        compiler_params=pltpu.CompilerParams(needs_layout_passes=False),
        out_type=jax.ShapeDtypeStruct((NC, N_PAD, F), jnp.float32),
        scratch_types=[
            pltpu.VMEM((CH,), jnp.int32),
            pltpu.VMEM((CH,), jnp.int32),
            pltpu.VMEM((CH,), jnp.float32),
            pltpu.VMEM((CH, F), jnp.float32),
            pltpu.VMEM_SHARED((N_PAD, F), jnp.float32),
            pltpu.SemaphoreType.DMA,
        ],
    )
    def edge_kernel(hin, src_hbm, dst_hbm, w_hbm, out_hbm,
                    srcv, dstv, wv, rows, accum, sem):
        cid = lax.axis_index("c")
        sid = lax.axis_index("s")
        wid = cid * NS + sid

        def zero_row(i, carry):
            for j in range(nreg):
                rows[i, pl.ds(16 * j, 16)] = jnp.zeros((16,), jnp.float32)
            return carry

        lax.fori_loop(0, CH, zero_row, 0)
        r0 = sid * RPT
        for k in range(4):
            pltpu.sync_copy(rows, accum.at[pl.ds(r0 + k * CH, CH)])
        pltpu.sync_copy(rows.at[pl.ds(0, 120)],
                        accum.at[pl.ds(r0 + 4 * CH, 120)])
        plsc.subcore_barrier()

        base = wid * EPT

        def chunk(ci, carry):
            off = base + ci * CH
            pltpu.sync_copy(src_hbm.at[pl.ds(off, CH)], srcv)
            pltpu.sync_copy(dst_hbm.at[pl.ds(off, CH)], dstv)
            pltpu.sync_copy(w_hbm.at[pl.ds(off, CH)], wv)
            pltpu.async_copy(hin.at[srcv], rows, sem).wait()

            def scale(e, c2):
                wvec = plsc.load_gather(wv, [jnp.full((16,), e, jnp.int32)])
                for j in range(nreg):
                    sl = pl.ds(16 * j, 16)
                    rows[e, sl] = rows[e, sl] * wvec
                return c2

            lax.fori_loop(0, CH, scale, 0)
            pltpu.sync_copy(rows, accum.at[dstv], add=True)
            return carry

        lax.fori_loop(0, NCHUNK, chunk, 0)
        plsc.subcore_barrier()
        pltpu.sync_copy(accum.at[pl.ds(r0, RPT)],
                        out_hbm.at[cid, pl.ds(r0, RPT)])

    return edge_kernel


_edge128 = _make_edge_kernel(H)



BR = 1000


def _tc1_body(x_ref, w1t_ref, degp_ref, hs_ref, dinv_ref):
    deg = degp_ref[0, :, 0:1] + degp_ref[1, :, 0:1]
    dinv = jnp.where(deg > 0, lax.rsqrt(jnp.maximum(deg, 1e-12)), 0.0)
    h = jnp.dot(x_ref[...], w1t_ref[...], preferred_element_type=jnp.float32)
    hs_ref[...] = h * dinv
    dinv_ref[...] = dinv


def _tc1(x, w1t, degp):
    return pl.pallas_call(
        _tc1_body,
        grid=(N // BR,),
        in_specs=[
            pl.BlockSpec((BR, D), lambda i: (i, 0)),
            pl.BlockSpec((D, H), lambda i: (0, 0)),
            pl.BlockSpec((NC, BR, 128), lambda i: (0, i, 0)),
        ],
        out_specs=[
            pl.BlockSpec((BR, H), lambda i: (i, 0)),
            pl.BlockSpec((BR, 1), lambda i: (i, 0)),
        ],
        out_shape=[
            jax.ShapeDtypeStruct((N, H), jnp.float32),
            jax.ShapeDtypeStruct((N, 1), jnp.float32),
        ],
    )(x, w1t, degp)


def _tc2_body(p_ref, dinv_ref, b1_ref, a2_ref):
    conv1 = (p_ref[0] + p_ref[1]) * dinv_ref[...] + b1_ref[...]
    a2_ref[...] = jnp.maximum(conv1, 0.0) * dinv_ref[...]


def _tc2(p, dinv, b1):
    return pl.pallas_call(
        _tc2_body,
        grid=(N // BR,),
        in_specs=[
            pl.BlockSpec((NC, BR, H), lambda i: (0, i, 0)),
            pl.BlockSpec((BR, 1), lambda i: (i, 0)),
            pl.BlockSpec((1, H), lambda i: (0, 0)),
        ],
        out_specs=pl.BlockSpec((BR, H), lambda i: (i, 0)),
        out_shape=jax.ShapeDtypeStruct((N, H), jnp.float32),
    )(p, dinv, b1)


def _tc3_body(q_ref, dinv_ref, b2_ref, w2t_ref, logits_ref, soft_ref):
    agg = (q_ref[0] + q_ref[1]) * dinv_ref[...]
    lg = jnp.dot(agg, w2t_ref[...],
                 preferred_element_type=jnp.float32) + b2_ref[...]
    logits_ref[...] = lg
    m = jnp.max(lg, axis=1, keepdims=True)
    ex = jnp.exp(lg - m)
    soft_ref[...] = ex / jnp.sum(ex, axis=1, keepdims=True)


def _tc3(q, dinv, b2, w2t):
    return pl.pallas_call(
        _tc3_body,
        grid=(N // BR,),
        in_specs=[
            pl.BlockSpec((NC, BR, H), lambda i: (0, i, 0)),
            pl.BlockSpec((BR, 1), lambda i: (i, 0)),
            pl.BlockSpec((1, C), lambda i: (0, 0)),
            pl.BlockSpec((H, C), lambda i: (0, 0)),
        ],
        out_specs=[
            pl.BlockSpec((BR, C), lambda i: (i, 0)),
            pl.BlockSpec((BR, C), lambda i: (i, 0)),
        ],
        out_shape=[
            jax.ShapeDtypeStruct((N, C), jnp.float32),
            jax.ShapeDtypeStruct((N, C), jnp.float32),
        ],
    )(q, dinv, b2, w2t)



@jax.jit
def kernel(x, edge_index, edge_weight, W1, b1, W2, b2):
    src = edge_index[0]
    dst = edge_index[1]
    npad = E_PAD - E
    pad_idx = (jnp.arange(npad, dtype=jnp.int32) * 37) % N
    srcp = jnp.concatenate([src, pad_idx])
    dstp = jnp.concatenate([dst, pad_idx])
    wp = jnp.concatenate([edge_weight, jnp.zeros((npad,), jnp.float32)])

    degp = _deg_kernel(dstp, wp)
    hs, dinv = _tc1(x, W1.T, degp)
    p = _edge128(hs, srcp, dstp, wp)
    a2 = _tc2(p, dinv, b1.reshape(1, H))
    q = _edge128(a2, srcp, dstp, wp)
    logits, soft = _tc3(q, dinv, b2.reshape(1, C), W2.T)
    return (logits, soft)

# --- scband reference (transcript-rebuilt; emitter-appended) ---
"""Pipeline reference for scband-gcn-80616536146466 (READ-ONLY COPY).

The authoritative reference and input builder live on the scoring server;
editing this copy changes nothing except your own understanding.
"""

import jax, jax.numpy as jnp
import numpy as np

N = 10000   # n_nodes
E = 320000  # n_edges
D = 128     # d_feat / input_dim
H = 128     # hidden dim
C = 64      # num_classes


def setup_inputs(seed: int = 0) -> dict:
    key = jax.random.key(seed)
    ks = jax.random.split(key, 6)
    x = jax.random.normal(ks[0], (N, D), dtype=jnp.float32)
    edge_index = jax.random.randint(ks[1], (2, E), 0, N, dtype=jnp.int32)
    edge_weight = jax.random.uniform(ks[2], (E,), dtype=jnp.float32)
    # learned params: two GCNConv layers (lin weight stored as [out, in], PyG style) + bias
    W1 = jax.random.normal(ks[3], (H, D), dtype=jnp.float32) * (1.0 / np.sqrt(D))
    b1 = jnp.zeros((H,), dtype=jnp.float32)
    W2 = jax.random.normal(ks[4], (C, H), dtype=jnp.float32) * (1.0 / np.sqrt(H))
    b2 = jnp.zeros((C,), dtype=jnp.float32)
    return {"x": x, "edge_index": edge_index, "edge_weight": edge_weight,
            "W1": W1, "b1": b1, "W2": W2, "b2": b2}


def _gcn_norm(edge_index, edge_weight, num_nodes):
    # GCN normalization WITHOUT self loops (add_self_loops=False in the module)
    row = edge_index[0]
    col = edge_index[1]
    deg = jax.ops.segment_sum(edge_weight, col, num_segments=num_nodes)
    deg_inv_sqrt = jnp.where(deg > 0, jax.lax.rsqrt(jnp.maximum(deg, 1e-12)), 0.0)
    return deg_inv_sqrt[row] * edge_weight * deg_inv_sqrt[col]


def _gcn_conv(x, edge_index, norm, W, b):
    h = x @ W.T                       # dense transform
    msg = jnp.take(h, edge_index[0], axis=0) * norm[:, None]  # gather src
    out = jax.ops.segment_sum(msg, edge_index[1], num_segments=x.shape[0])  # scatter-add to dst
    return out + b


def reference(x, edge_index, edge_weight, W1, b1, W2, b2):
    # eval mode: dropout=0, drop_edge=0, sample=False -> deterministic
    norm = _gcn_norm(edge_index, edge_weight, x.shape[0])
    h = jax.nn.relu(_gcn_conv(x, edge_index, norm, W1, b1))
    logits = _gcn_conv(h, edge_index, norm, W2, b2)
    soft = jax.nn.softmax(logits, axis=1)
    return (logits, soft)

if __name__ == "__main__":
    import jax
    _d = setup_inputs()
    print(jax.jit(kernel)(*tuple(_d.values())))

</pallas_src>

<mosaic_0001>
#map = affine_map<(d0, d1) -> (0)>
#map1 = affine_map<(d0, d1) -> (0, 0, 0)>
module attributes {stable_mosaic.version = 14 : i64} {
  func.func @_deg_kernel(%arg0: i32, %arg1: i32, %arg2: memref<323584xi32, #tpu.memory_space<hbm>>, %arg3: memref<323584xf32, #tpu.memory_space<hbm>>, %arg4: memref<2x10112x128xf32, #tpu.memory_space<hbm>>, %arg5: memref<128xi32, #tpu.memory_space<vmem>>, %arg6: memref<128xf32, #tpu.memory_space<vmem>>, %arg7: memref<128x128xf32, #tpu.memory_space<vmem>>, %arg8: memref<10112x128xf32, #tpu.memory_space<vmem_shared>>) attributes {dimension_semantics = [#tpu.dimension_semantics<core_parallel>, #tpu.dimension_semantics<subcore_parallel>], iteration_bounds = array<i64: 2, 16>, scalar_prefetch = 0 : i64, scratch_operands = 4 : i64, tpu.core_type = #tpu.core_type<sc_vector_subcore>, window_params = [{transform_indices = #map}, {transform_indices = #map}, {transform_indices = #map1}]} {
    %mul3A = arith.constant 16 : i32
    %mul3A_0 = arith.muli %arg0, %mul3A : i32
    %add3A = arith.addi %mul3A_0, %arg1 : i32
    %scan3A = arith.constant 0 : i32
    %scan3A_1 = arith.constant 0 : i32
    %scan3A_2 = arith.constant 128 : i32
    %scan3A_3 = arith.addi %scan3A_1, %scan3A_2 : i32
    %scan3A_4 = arith.constant 1 : i32
    scf.for %scan3A_27 = %scan3A_1 to %scan3A_3 step %scan3A_4  : i32 {
      %broadcast_in_dim3A = arith.constant 0.000000e+00 : f32
      %broadcast_in_dim3A_28 = vector.broadcast %broadcast_in_dim3A : f32 to vector<16xf32>
      %swap3A = arith.index_cast %scan3A_27 : i32 to index
      %swap3A_29 = arith.constant 0 : index
      %swap3A_30 = tpu.vector_load %arg7[%swap3A, %swap3A_29] {strides = array<i32>} : memref<128x128xf32, #tpu.memory_space<vmem>>, vector<16xf32>,
      tpu.vector_store %arg7[%swap3A, %swap3A_29], %broadcast_in_dim3A_28 {strides = array<i32>} : memref<128x128xf32, #tpu.memory_space<vmem>>, vector<16xf32>,
      %broadcast_in_dim3A_31 = arith.constant 0.000000e+00 : f32
      %broadcast_in_dim3A_32 = vector.broadcast %broadcast_in_dim3A_31 : f32 to vector<16xf32>
      %swap3A_33 = arith.index_cast %scan3A_27 : i32 to index
      %swap3A_34 = arith.constant 16 : index
      %swap3A_35 = tpu.vector_load %arg7[%swap3A_33, %swap3A_34] {strides = array<i32>} : memref<128x128xf32, #tpu.memory_space<vmem>>, vector<16xf32>,
      tpu.vector_store %arg7[%swap3A_33, %swap3A_34], %broadcast_in_dim3A_32 {strides = array<i32>} : memref<128x128xf32, #tpu.memory_space<vmem>>, vector<16xf32>,
      %broadcast_in_dim3A_36 = arith.constant 0.000000e+00 : f32
      %broadcast_in_dim3A_37 = vector.broadcast %broadcast_in_dim3A_36 : f32 to vector<16xf32>
      %swap3A_38 = arith.index_cast %scan3A_27 : i32 to index
      %swap3A_39 = arith.constant 32 : index
      %swap3A_40 = tpu.vector_load %arg7[%swap3A_38, %swap3A_39] {strides = array<i32>} : memref<128x128xf32, #tpu.memory_space<vmem>>, vector<16xf32>,
      tpu.vector_store %arg7[%swap3A_38, %swap3A_39], %broadcast_in_dim3A_37 {strides = array<i32>} : memref<128x128xf32, #tpu.memory_space<vmem>>, vector<16xf32>,
      %broadcast_in_dim3A_41 = arith.constant 0.000000e+00 : f32
      %broadcast_in_dim3A_42 = vector.broadcast %broadcast_in_dim3A_41 : f32 to vector<16xf32>
      %swap3A_43 = arith.index_cast %scan3A_27 : i32 to index
      %swap3A_44 = arith.constant 48 : index
      %swap3A_45 = tpu.vector_load %arg7[%swap3A_43, %swap3A_44] {strides = array<i32>} : memref<128x128xf32, #tpu.memory_space<vmem>>, vector<16xf32>,
      tpu.vector_store %arg7[%swap3A_43, %swap3A_44], %broadcast_in_dim3A_42 {strides = array<i32>} : memref<128x128xf32, #tpu.memory_space<vmem>>, vector<16xf32>,
      %broadcast_in_dim3A_46 = arith.constant 0.000000e+00 : f32
      %broadcast_in_dim3A_47 = vector.broadcast %broadcast_in_dim3A_46 : f32 to vector<16xf32>
      %swap3A_48 = arith.index_cast %scan3A_27 : i32 to index
      %swap3A_49 = arith.constant 64 : index
      %swap3A_50 = tpu.vector_load %arg7[%swap3A_48, %swap3A_49] {strides = array<i32>} : memref<128x128xf32, #tpu.memory_space<vmem>>, vector<16xf32>,
      tpu.vector_store %arg7[%swap3A_48, %swap3A_49], %broadcast_in_dim3A_47 {strides = array<i32>} : memref<128x128xf32, #tpu.memory_space<vmem>>, vector<16xf32>,
      %broadcast_in_dim3A_51 = arith.constant 0.000000e+00 : f32
      %broadcast_in_dim3A_52 = vector.broadcast %broadcast_in_dim3A_51 : f32 to vector<16xf32>
      %swap3A_53 = arith.index_cast %scan3A_27 : i32 to index
      %swap3A_54 = arith.constant 80 : index
      %swap3A_55 = tpu.vector_load %arg7[%swap3A_53, %swap3A_54] {strides = array<i32>} : memref<128x128xf32, #tpu.memory_space<vmem>>, vector<16xf32>,
      tpu.vector_store %arg7[%swap3A_53, %swap3A_54], %broadcast_in_dim3A_52 {strides = array<i32>} : memref<128x128xf32, #tpu.memory_space<vmem>>, vector<16xf32>,
      %broadcast_in_dim3A_56 = arith.constant 0.000000e+00 : f32
      %broadcast_in_dim3A_57 = vector.broadcast %broadcast_in_dim3A_56 : f32 to vector<16xf32>
      %swap3A_58 = arith.index_cast %scan3A_27 : i32 to index
      %swap3A_59 = arith.constant 96 : index
      %swap3A_60 = tpu.vector_load %arg7[%swap3A_58, %swap3A_59] {strides = array<i32>} : memref<128x128xf32, #tpu.memory_space<vmem>>, vector<16xf32>,
      tpu.vector_store %arg7[%swap3A_58, %swap3A_59], %broadcast_in_dim3A_57 {strides = array<i32>} : memref<128x128xf32, #tpu.memory_space<vmem>>, vector<16xf32>,
      %broadcast_in_dim3A_61 = arith.constant 0.000000e+00 : f32
      %broadcast_in_dim3A_62 = vector.broadcast %broadcast_in_dim3A_61 : f32 to vector<16xf32>
      %swap3A_63 = arith.index_cast %scan3A_27 : i32 to index
      %swap3A_64 = arith.constant 112 : index
      %swap3A_65 = tpu.vector_load %arg7[%swap3A_63, %swap3A_64] {strides = array<i32>} : memref<128x128xf32, #tpu.memory_space<vmem>>, vector<16xf32>,
      tpu.vector_store %arg7[%swap3A_63, %swap3A_64], %broadcast_in_dim3A_62 {strides = array<i32>} : memref<128x128xf32, #tpu.memory_space<vmem>>, vector<16xf32>,
    }
    %scan3A_5 = arith.constant 128 : i32
    %mul3A_6 = arith.constant 632 : i32
    %mul3A_7 = arith.muli %arg1, %mul3A_6 : i32
    %add3A_8 = arith.constant 0 : i32
    %add3A_9 = arith.addi %mul3A_7, %add3A_8 : i32
    "tpu.region"() ({
      %run_scoped3A = tpu.sem_alloc : memref<!tpu.dma_semaphore, #tpu.memory_space<semaphore_mem>>
      %dma_start3A = arith.constant 0 : i32
      %dma_start3A_27 = tpu.memref_slice %arg8[%add3A_9, %dma_start3A] : memref<10112x128xf32, #tpu.memory_space<vmem_shared>> -> memref<128x128xf32, #tpu.memory_space<vmem_shared>>
      %dma_start3A_28 = arith.constant 0 : i32
      %dma_start3A_29 = tpu.memref_slice %arg8[%add3A_9, %dma_start3A_28] : memref<10112x128xf32, #tpu.memory_space<vmem_shared>> -> memref<128x128xf32, #tpu.memory_space<vmem_shared>>
      tpu.enqueue_dma source(%arg7 : memref<128x128xf32, #tpu.memory_space<vmem>>) target(%dma_start3A_29 : memref<128x128xf32, #tpu.memory_space<vmem_shared>>) target_semaphore(%run_scoped3A : memref<!tpu.dma_semaphore, #tpu.memory_space<semaphore_mem>>)
      %dma_wait3A = arith.constant 0 : i32
      %dma_wait3A_30 = tpu.memref_slice %arg8[%add3A_9, %dma_wait3A] : memref<10112x128xf32, #tpu.memory_space<vmem_shared>> -> memref<128x128xf32, #tpu.memory_space<vmem_shared>>
      %dma_wait3A_31 = arith.constant 0 : i32
      %dma_wait3A_32 = tpu.memref_slice %arg8[%add3A_9, %dma_wait3A_31] : memref<10112x128xf32, #tpu.memory_space<vmem_shared>> -> memref<128x128xf32, #tpu.memory_space<vmem_shared>>
      tpu.wait_dma2 semaphore(%run_scoped3A : memref<!tpu.dma_semaphore, #tpu.memory_space<semaphore_mem>>) src(%arg7 : memref<128x128xf32, #tpu.memory_space<vmem>>) dst(%dma_wait3A_32 : memref<128x128xf32, #tpu.memory_space<vmem_shared>>)
      tpu.yield
    }) : () -> ()
    %add3A_10 = arith.constant 128 : i32
    %add3A_11 = arith.addi %mul3A_7, %add3A_10 : i32
    "tpu.region"() ({
      %run_scoped3A = tpu.sem_alloc : memref<!tpu.dma_semaphore, #tpu.memory_space<semaphore_mem>>
      %dma_start3A = arith.constant 0 : i32
      %dma_start3A_27 = tpu.memref_slice %arg8[%add3A_11, %dma_start3A] : memref<10112x128xf32, #tpu.memory_space<vmem_shared>> -> memref<128x128xf32, #tpu.memory_space<vmem_shared>>
      %dma_start3A_28 = arith.constant 0 : i32
      %dma_start3A_29 = tpu.memref_slice %arg8[%add3A_11, %dma_start3A_28] : memref<10112x128xf32, #tpu.memory_space<vmem_shared>> -> memref<128x128xf32, #tpu.memory_space<vmem_shared>>
      tpu.enqueue_dma source(%arg7 : memref<128x128xf32, #tpu.memory_space<vmem>>) target(%dma_start3A_29 : memref<128x128xf32, #tpu.memory_space<vmem_shared>>) target_semaphore(%run_scoped3A : memref<!tpu.dma_semaphore, #tpu.memory_space<semaphore_mem>>)
      %dma_wait3A = arith.constant 0 : i32
      %dma_wait3A_30 = tpu.memref_slice %arg8[%add3A_11, %dma_wait3A] : memref<10112x128xf32, #tpu.memory_space<vmem_shared>> -> memref<128x128xf32, #tpu.memory_space<vmem_shared>>
      %dma_wait3A_31 = arith.constant 0 : i32
      %dma_wait3A_32 = tpu.memref_slice %arg8[%add3A_11, %dma_wait3A_31] : memref<10112x128xf32, #tpu.memory_space<vmem_shared>> -> memref<128x128xf32, #tpu.memory_space<vmem_shared>>
      tpu.wait_dma2 semaphore(%run_scoped3A : memref<!tpu.dma_semaphore, #tpu.memory_space<semaphore_mem>>) src(%arg7 : memref<128x128xf32, #tpu.memory_space<vmem>>) dst(%dma_wait3A_32 : memref<128x128xf32, #tpu.memory_space<vmem_shared>>)
      tpu.yield
    }) : () -> ()
    %add3A_12 = arith.constant 256 : i32
    %add3A_13 = arith.addi %mul3A_7, %add3A_12 : i32
    "tpu.region"() ({
      %run_scoped3A = tpu.sem_alloc : memref<!tpu.dma_semaphore, #tpu.memory_space<semaphore_mem>>
      %dma_start3A = arith.constant 0 : i32
      %dma_start3A_27 = tpu.memref_slice %arg8[%add3A_13, %dma_start3A] : memref<10112x128xf32, #tpu.memory_space<vmem_shared>> -> memref<128x128xf32, #tpu.memory_space<vmem_shared>>
      %dma_start3A_28 = arith.constant 0 : i32
      %dma_start3A_29 = tpu.memref_slice %arg8[%add3A_13, %dma_start3A_28] : memref<10112x128xf32, #tpu.memory_space<vmem_shared>> -> memref<128x128xf32, #tpu.memory_space<vmem_shared>>
      tpu.enqueue_dma source(%arg7 : memref<128x128xf32, #tpu.memory_space<vmem>>) target(%dma_start3A_29 : memref<128x128xf32, #tpu.memory_space<vmem_shared>>) target_semaphore(%run_scoped3A : memref<!tpu.dma_semaphore, #tpu.memory_space<semaphore_mem>>)
      %dma_wait3A = arith.constant 0 : i32
      %dma_wait3A_30 = tpu.memref_slice %arg8[%add3A_13, %dma_wait3A] : memref<10112x128xf32, #tpu.memory_space<vmem_shared>> -> memref<128x128xf32, #tpu.memory_space<vmem_shared>>
      %dma_wait3A_31 = arith.constant 0 : i32
      %dma_wait3A_32 = tpu.memref_slice %arg8[%add3A_13, %dma_wait3A_31] : memref<10112x128xf32, #tpu.memory_space<vmem_shared>> -> memref<128x128xf32, #tpu.memory_space<vmem_shared>>
      tpu.wait_dma2 semaphore(%run_scoped3A : memref<!tpu.dma_semaphore, #tpu.memory_space<semaphore_mem>>) src(%arg7 : memref<128x128xf32, #tpu.memory_space<vmem>>) dst(%dma_wait3A_32 : memref<128x128xf32, #tpu.memory_space<vmem_shared>>)
      tpu.yield
    }) : () -> ()
    %add3A_14 = arith.constant 384 : i32
    %add3A_15 = arith.addi %mul3A_7, %add3A_14 : i32
    "tpu.region"() ({
      %run_scoped3A = tpu.sem_alloc : memref<!tpu.dma_semaphore, #tpu.memory_space<semaphore_mem>>
      %dma_start3A = arith.constant 0 : i32
      %dma_start3A_27 = tpu.memref_slice %arg8[%add3A_15, %dma_start3A] : memref<10112x128xf32, #tpu.memory_space<vmem_shared>> -> memref<128x128xf32, #tpu.memory_space<vmem_shared>>
      %dma_start3A_28 = arith.constant 0 : i32
      %dma_start3A_29 = tpu.memref_slice %arg8[%add3A_15, %dma_start3A_28] : memref<10112x128xf32, #tpu.memory_space<vmem_shared>> -> memref<128x128xf32, #tpu.memory_space<vmem_shared>>
      tpu.enqueue_dma source(%arg7 : memref<128x128xf32, #tpu.memory_space<vmem>>) target(%dma_start3A_29 : memref<128x128xf32, #tpu.memory_space<vmem_shared>>) target_semaphore(%run_scoped3A : memref<!tpu.dma_semaphore, #tpu.memory_space<semaphore_mem>>)
      %dma_wait3A = arith.constant 0 : i32
      %dma_wait3A_30 = tpu.memref_slice %arg8[%add3A_15, %dma_wait3A] : memref<10112x128xf32, #tpu.memory_space<vmem_shared>> -> memref<128x128xf32, #tpu.memory_space<vmem_shared>>
      %dma_wait3A_31 = arith.constant 0 : i32
      %dma_wait3A_32 = tpu.memref_slice %arg8[%add3A_15, %dma_wait3A_31] : memref<10112x128xf32, #tpu.memory_space<vmem_shared>> -> memref<128x128xf32, #tpu.memory_space<vmem_shared>>
      tpu.wait_dma2 semaphore(%run_scoped3A : memref<!tpu.dma_semaphore, #tpu.memory_space<semaphore_mem>>) src(%arg7 : memref<128x128xf32, #tpu.memory_space<vmem>>) dst(%dma_wait3A_32 : memref<128x128xf32, #tpu.memory_space<vmem_shared>>)
      tpu.yield
    }) : () -> ()
    %add3A_16 = arith.constant 512 : i32
    %add3A_17 = arith.addi %mul3A_7, %add3A_16 : i32
    "tpu.region"() ({
      %run_scoped3A = tpu.sem_alloc : memref<!tpu.dma_semaphore, #tpu.memory_space<semaphore_mem>>
      %dma_start3A = arith.constant 0 : i32
      %dma_start3A_27 = arith.constant 0 : i32
      %dma_start3A_28 = tpu.memref_slice %arg7[%dma_start3A, %dma_start3A_27] : memref<128x128xf32, #tpu.memory_space<vmem>> -> memref<120x128xf32, #tpu.memory_space<vmem>>
      %dma_start3A_29 = arith.constant 0 : i32
      %dma_start3A_30 = tpu.memref_slice %arg8[%add3A_17, %dma_start3A_29] : memref<10112x128xf32, #tpu.memory_space<vmem_shared>> -> memref<120x128xf32, #tpu.memory_space<vmem_shared>>
      %dma_start3A_31 = arith.constant 0 : i32
      %dma_start3A_32 = tpu.memref_slice %arg8[%add3A_17, %dma_start3A_31] : memref<10112x128xf32, #tpu.memory_space<vmem_shared>> -> memref<120x128xf32, #tpu.memory_space<vmem_shared>>
      %dma_start3A_33 = arith.constant 0 : i32
      %dma_start3A_34 = arith.constant 0 : i32
      %dma_start3A_35 = tpu.memref_slice %arg7[%dma_start3A_33, %dma_start3A_34] : memref<128x128xf32, #tpu.memory_space<vmem>> -> memref<120x128xf32, #tpu.memory_space<vmem>>
      tpu.enqueue_dma source(%dma_start3A_35 : memref<120x128xf32, #tpu.memory_space<vmem>>) target(%dma_start3A_32 : memref<120x128xf32, #tpu.memory_space<vmem_shared>>) target_semaphore(%run_scoped3A : memref<!tpu.dma_semaphore, #tpu.memory_space<semaphore_mem>>)
      %dma_wait3A = arith.constant 0 : i32
      %dma_wait3A_36 = arith.constant 0 : i32
      %dma_wait3A_37 = tpu.memref_slice %arg7[%dma_wait3A, %dma_wait3A_36] : memref<128x128xf32, #tpu.memory_space<vmem>> -> memref<120x128xf32, #tpu.memory_space<vmem>>
      %dma_wait3A_38 = arith.constant 0 : i32
      %dma_wait3A_39 = tpu.memref_slice %arg8[%add3A_17, %dma_wait3A_38] : memref<10112x128xf32, #tpu.memory_space<vmem_shared>> -> memref<120x128xf32, #tpu.memory_space<vmem_shared>>
      %dma_wait3A_40 = arith.constant 0 : i32
      %dma_wait3A_41 = tpu.memref_slice %arg8[%add3A_17, %dma_wait3A_40] : memref<10112x128xf32, #tpu.memory_space<vmem_shared>> -> memref<120x128xf32, #tpu.memory_space<vmem_shared>>
      %dma_wait3A_42 = arith.constant 0 : i32
      %dma_wait3A_43 = arith.constant 0 : i32
      %dma_wait3A_44 = tpu.memref_slice %arg7[%dma_wait3A_42, %dma_wait3A_43] : memref<128x128xf32, #tpu.memory_space<vmem>> -> memref<120x128xf32, #tpu.memory_space<vmem>>
      tpu.wait_dma2 semaphore(%run_scoped3A : memref<!tpu.dma_semaphore, #tpu.memory_space<semaphore_mem>>) src(%dma_wait3A_44 : memref<120x128xf32, #tpu.memory_space<vmem>>) dst(%dma_wait3A_41 : memref<120x128xf32, #tpu.memory_space<vmem_shared>>)
      tpu.yield
    }) : () -> ()
    %barrier3A = arith.constant 0 : index
    tpu.barrier barrier_id(%barrier3A)
    %mul3A_18 = arith.constant 10112 : i32
    %mul3A_19 = arith.muli %add3A, %mul3A_18 : i32
    %scan3A_20 = arith.constant 0 : i32
    %scan3A_21 = arith.constant 0 : i32
    %scan3A_22 = arith.constant 79 : i32
    %scan3A_23 = arith.addi %scan3A_21, %scan3A_22 : i32
    %scan3A_24 = arith.constant 1 : i32
    scf.for %scan3A_27 = %scan3A_21 to %scan3A_23 step %scan3A_24  : i32 {
      %mul3A_28 = arith.constant 128 : i32
      %mul3A_29 = arith.muli %scan3A_27, %mul3A_28 : i32
      %add3A_30 = arith.addi %mul3A_19, %mul3A_29 : i32
      "tpu.region"() ({
        %run_scoped3A = tpu.sem_alloc : memref<!tpu.dma_semaphore, #tpu.memory_space<semaphore_mem>>
        %dma_start3A = tpu.memref_slice %arg2[%add3A_30] : memref<323584xi32, #tpu.memory_space<hbm>> -> memref<128xi32, #tpu.memory_space<hbm>>
        %dma_start3A_37 = tpu.memref_slice %arg2[%add3A_30] : memref<323584xi32, #tpu.memory_space<hbm>> -> memref<128xi32, #tpu.memory_space<hbm>>
        tpu.enqueue_dma source(%dma_start3A_37 : memref<128xi32, #tpu.memory_space<hbm>>) target(%arg5 : memref<128xi32, #tpu.memory_space<vmem>>) target_semaphore(%run_scoped3A : memref<!tpu.dma_semaphore, #tpu.memory_space<semaphore_mem>>)
        %dma_wait3A = tpu.memref_slice %arg2[%add3A_30] : memref<323584xi32, #tpu.memory_space<hbm>> -> memref<128xi32, #tpu.memory_space<hbm>>
        %dma_wait3A_38 = tpu.memref_slice %arg2[%add3A_30] : memref<323584xi32, #tpu.memory_space<hbm>> -> memref<128xi32, #tpu.memory_space<hbm>>
        tpu.wait_dma2 semaphore(%run_scoped3A : memref<!tpu.dma_semaphore, #tpu.memory_space<semaphore_mem>>) src(%dma_wait3A_38 : memref<128xi32, #tpu.memory_space<hbm>>) dst(%arg5 : memref<128xi32, #tpu.memory_space<vmem>>)
        tpu.yield
      }) : () -> ()
      "tpu.region"() ({
        %run_scoped3A = tpu.sem_alloc : memref<!tpu.dma_semaphore, #tpu.memory_space<semaphore_mem>>
        %dma_start3A = tpu.memref_slice %arg3[%add3A_30] : memref<323584xf32, #tpu.memory_space<hbm>> -> memref<128xf32, #tpu.memory_space<hbm>>
        %dma_start3A_37 = tpu.memref_slice %arg3[%add3A_30] : memref<323584xf32, #tpu.memory_space<hbm>> -> memref<128xf32, #tpu.memory_space<hbm>>
        tpu.enqueue_dma source(%dma_start3A_37 : memref<128xf32, #tpu.memory_space<hbm>>) target(%arg6 : memref<128xf32, #tpu.memory_space<vmem>>) target_semaphore(%run_scoped3A : memref<!tpu.dma_semaphore, #tpu.memory_space<semaphore_mem>>)
        %dma_wait3A = tpu.memref_slice %arg3[%add3A_30] : memref<323584xf32, #tpu.memory_space<hbm>> -> memref<128xf32, #tpu.memory_space<hbm>>
        %dma_wait3A_38 = tpu.memref_slice %arg3[%add3A_30] : memref<323584xf32, #tpu.memory_space<hbm>> -> memref<128xf32, #tpu.memory_space<hbm>>
        tpu.wait_dma2 semaphore(%run_scoped3A : memref<!tpu.dma_semaphore, #tpu.memory_space<semaphore_mem>>) src(%dma_wait3A_38 : memref<128xf32, #tpu.memory_space<hbm>>) dst(%arg6 : memref<128xf32, #tpu.memory_space<vmem>>)
        tpu.yield
      }) : () -> ()
      %scan3A_31 = arith.constant 0 : i32
      %scan3A_32 = arith.constant 0 : i32
      %scan3A_33 = arith.constant 128 : i32
      %scan3A_34 = arith.addi %scan3A_32, %scan3A_33 : i32
      %scan3A_35 = arith.constant 1 : i32
      scf.for %scan3A_37 = %scan3A_32 to %scan3A_34 step %scan3A_35  : i32 {
        %broadcast_in_dim3A = vector.broadcast %scan3A_37 : i32 to vector<16xi32>
        %gather3A = tpu.vector_load_idx %arg6[%broadcast_in_dim3A] : memref<128xf32, #tpu.memory_space<vmem>>[vector<16xi32>], vector<16xf32>,
        %swap3A = arith.index_cast %scan3A_37 : i32 to index
        %swap3A_38 = arith.constant 0 : index
        %swap3A_39 = tpu.vector_load %arg7[%swap3A, %swap3A_38] {strides = array<i32>} : memref<128x128xf32, #tpu.memory_space<vmem>>, vector<16xf32>,
        tpu.vector_store %arg7[%swap3A, %swap3A_38], %gather3A {strides = array<i32>} : memref<128x128xf32, #tpu.memory_space<vmem>>, vector<16xf32>,
      }
      %scan3A_36 = arith.constant 128 : i32
      "tpu.region"() ({
        %run_scoped3A = tpu.sem_alloc : memref<!tpu.dma_semaphore, #tpu.memory_space<semaphore_mem>>
        %dma_start3A = arith.constant 0 : i32
        %dma_start3A_37 = arith.constant 0 : i32
        %dma_start3A_38 = tpu.memref_slice %arg8[%dma_start3A, %dma_start3A_37] : memref<10112x128xf32, #tpu.memory_space<vmem_shared>> -> memref<10112x128xf32, #tpu.memory_space<vmem_shared>>
        tpu.enqueue_indirect_dma source(%arg7 : memref<128x128xf32, #tpu.memory_space<vmem>>) target(%dma_start3A_38 : memref<10112x128xf32, #tpu.memory_space<vmem_shared>>) offsets(%arg5 : memref<128xi32, #tpu.memory_space<vmem>>) semaphore(%run_scoped3A : memref<!tpu.dma_semaphore, #tpu.memory_space<semaphore_mem>>) {add = true}
        %dma_wait3A = arith.constant 0 : i32
        %dma_wait3A_39 = arith.constant 0 : i32
        %dma_wait3A_40 = tpu.memref_slice %arg8[%dma_wait3A, %dma_wait3A_39] : memref<10112x128xf32, #tpu.memory_space<vmem_shared>> -> memref<10112x128xf32, #tpu.memory_space<vmem_shared>>
        tpu.wait_indirect_dma semaphore(%run_scoped3A : memref<!tpu.dma_semaphore, #tpu.memory_space<semaphore_mem>>) src(%arg7 : memref<128x128xf32, #tpu.memory_space<vmem>>) dst(%dma_wait3A_40 : memref<10112x128xf32, #tpu.memory_space<vmem_shared>>)
        tpu.yield
      }) : () -> ()
    }
    %scan3A_25 = arith.constant 79 : i32
    %barrier3A_26 = arith.constant 0 : index
    tpu.barrier barrier_id(%barrier3A_26)
    "tpu.region"() ({
      %run_scoped3A = tpu.sem_alloc : memref<!tpu.dma_semaphore, #tpu.memory_space<semaphore_mem>>
      %dma_start3A = arith.constant 0 : i32
      %dma_start3A_27 = tpu.memref_slice %arg4[%arg0, %mul3A_7, %dma_start3A] : memref<2x10112x128xf32, #tpu.memory_space<hbm>> -> memref<1x632x128xf32, #tpu.memory_space<hbm>>
      %dma_start3A_28 = tpu.memref_squeeze %dma_start3A_27 : memref<1x632x128xf32, #tpu.memory_space<hbm>> -> memref<632x128xf32, #tpu.memory_space<hbm>>
      %dma_start3A_29 = arith.constant 0 : i32
      %dma_start3A_30 = tpu.memref_slice %arg8[%mul3A_7, %dma_start3A_29] : memref<10112x128xf32, #tpu.memory_space<vmem_shared>> -> memref<632x128xf32, #tpu.memory_space<vmem_shared>>
      tpu.enqueue_dma source(%dma_start3A_30 : memref<632x128xf32, #tpu.memory_space<vmem_shared>>) target(%dma_start3A_28 : memref<632x128xf32, #tpu.memory_space<hbm>>) target_semaphore(%run_scoped3A : memref<!tpu.dma_semaphore, #tpu.memory_space<semaphore_mem>>)
      %dma_wait3A = arith.constant 0 : i32
      %dma_wait3A_31 = tpu.memref_slice %arg4[%arg0, %mul3A_7, %dma_wait3A] : memref<2x10112x128xf32, #tpu.memory_space<hbm>> -> memref<1x632x128xf32, #tpu.memory_space<hbm>>
      %dma_wait3A_32 = tpu.memref_squeeze %dma_wait3A_31 : memref<1x632x128xf32, #tpu.memory_space<hbm>> -> memref<632x128xf32, #tpu.memory_space<hbm>>
      %dma_wait3A_33 = arith.constant 0 : i32
      %dma_wait3A_34 = tpu.memref_slice %arg8[%mul3A_7, %dma_wait3A_33] : memref<10112x128xf32, #tpu.memory_space<vmem_shared>> -> memref<632x128xf32, #tpu.memory_space<vmem_shared>>
      tpu.wait_dma2 semaphore(%run_scoped3A : memref<!tpu.dma_semaphore, #tpu.memory_space<semaphore_mem>>) src(%dma_wait3A_34 : memref<632x128xf32, #tpu.memory_space<vmem_shared>>) dst(%dma_wait3A_32 : memref<632x128xf32, #tpu.memory_space<hbm>>)
      tpu.yield
    }) : () -> ()
    return
  }
}

#map = affine_map<(d0, d1) -> (0, 0)>
#map1 = affine_map<(d0, d1) -> (0)>
#map2 = affine_map<(d0, d1) -> (0, 0, 0)>
module attributes {stable_mosaic.version = 14 : i64} {
  func.func @edge_kernel(%arg0: i32, %arg1: i32, %arg2: memref<10000x128xf32, #tpu.memory_space<hbm>>, %arg3: memref<323584xi32, #tpu.memory_space<hbm>>, %arg4: memref<323584xi32, #tpu.memory_space<hbm>>, %arg5: memref<323584xf32, #tpu.memory_space<hbm>>, %arg6: memref<2x10112x128xf32, #tpu.memory_space<hbm>>, %arg7: memref<128xi32, #tpu.memory_space<vmem>>, %arg8: memref<128xi32, #tpu.memory_space<vmem>>, %arg9: memref<128xf32, #tpu.memory_space<vmem>>, %arg10: memref<128x128xf32, #tpu.memory_space<vmem>>, %arg11: memref<10112x128xf32, #tpu.memory_space<vmem_shared>>, %arg12: memref<!tpu.dma_semaphore, #tpu.memory_space<semaphore_mem>>) attributes {dimension_semantics = [#tpu.dimension_semantics<core_parallel>, #tpu.dimension_semantics<subcore_parallel>], iteration_bounds = array<i64: 2, 16>, scalar_prefetch = 0 : i64, scratch_operands = 6 : i64, tpu.core_type = #tpu.core_type<sc_vector_subcore>, window_params = [{transform_indices = #map}, {transform_indices = #map1}, {transform_indices = #map1}, {transform_indices = #map1}, {transform_indices = #map2}]} {
    %mul3A = arith.constant 16 : i32
    %mul3A_0 = arith.muli %arg0, %mul3A : i32
    %add3A = arith.addi %mul3A_0, %arg1 : i32
    %scan3A = arith.constant 0 : i32
    %scan3A_1 = arith.constant 0 : i32
    %scan3A_2 = arith.constant 128 : i32
    %scan3A_3 = arith.addi %scan3A_1, %scan3A_2 : i32
    %scan3A_4 = arith.constant 1 : i32
    scf.for %scan3A_27 = %scan3A_1 to %scan3A_3 step %scan3A_4  : i32 {
      %broadcast_in_dim3A = arith.constant 0.000000e+00 : f32
      %broadcast_in_dim3A_28 = vector.broadcast %broadcast_in_dim3A : f32 to vector<16xf32>
      %swap3A = arith.index_cast %scan3A_27 : i32 to index
      %swap3A_29 = arith.constant 0 : index
      %swap3A_30 = tpu.vector_load %arg10[%swap3A, %swap3A_29] {strides = array<i32>} : memref<128x128xf32, #tpu.memory_space<vmem>>, vector<16xf32>,
      tpu.vector_store %arg10[%swap3A, %swap3A_29], %broadcast_in_dim3A_28 {strides = array<i32>} : memref<128x128xf32, #tpu.memory_space<vmem>>, vector<16xf32>,
      %broadcast_in_dim3A_31 = arith.constant 0.000000e+00 : f32
      %broadcast_in_dim3A_32 = vector.broadcast %broadcast_in_dim3A_31 : f32 to vector<16xf32>
      %swap3A_33 = arith.index_cast %scan3A_27 : i32 to index
      %swap3A_34 = arith.constant 16 : index
      %swap3A_35 = tpu.vector_load %arg10[%swap3A_33, %swap3A_34] {strides = array<i32>} : memref<128x128xf32, #tpu.memory_space<vmem>>, vector<16xf32>,
      tpu.vector_store %arg10[%swap3A_33, %swap3A_34], %broadcast_in_dim3A_32 {strides = array<i32>} : memref<128x128xf32, #tpu.memory_space<vmem>>, vector<16xf32>,
      %broadcast_in_dim3A_36 = arith.constant 0.000000e+00 : f32
      %broadcast_in_dim3A_37 = vector.broadcast %broadcast_in_dim3A_36 : f32 to vector<16xf32>
      %swap3A_38 = arith.index_cast %scan3A_27 : i32 to index
      %swap3A_39 = arith.constant 32 : index
      %swap3A_40 = tpu.vector_load %arg10[%swap3A_38, %swap3A_39] {strides = array<i32>} : memref<128x128xf32, #tpu.memory_space<vmem>>, vector<16xf32>,
      tpu.vector_store %arg10[%swap3A_38, %swap3A_39], %broadcast_in_dim3A_37 {strides = array<i32>} : memref<128x128xf32, #tpu.memory_space<vmem>>, vector<16xf32>,
      %broadcast_in_dim3A_41 = arith.constant 0.000000e+00 : f32
      %broadcast_in_dim3A_42 = vector.broadcast %broadcast_in_dim3A_41 : f32 to vector<16xf32>
      %swap3A_43 = arith.index_cast %scan3A_27 : i32 to index
      %swap3A_44 = arith.constant 48 : index
      %swap3A_45 = tpu.vector_load %arg10[%swap3A_43, %swap3A_44] {strides = array<i32>} : memref<128x128xf32, #tpu.memory_space<vmem>>, vector<16xf32>,
      tpu.vector_store %arg10[%swap3A_43, %swap3A_44], %broadcast_in_dim3A_42 {strides = array<i32>} : memref<128x128xf32, #tpu.memory_space<vmem>>, vector<16xf32>,
      %broadcast_in_dim3A_46 = arith.constant 0.000000e+00 : f32
      %broadcast_in_dim3A_47 = vector.broadcast %broadcast_in_dim3A_46 : f32 to vector<16xf32>
      %swap3A_48 = arith.index_cast %scan3A_27 : i32 to index
      %swap3A_49 = arith.constant 64 : index
      %swap3A_50 = tpu.vector_load %arg10[%swap3A_48, %swap3A_49] {strides = array<i32>} : memref<128x128xf32, #tpu.memory_space<vmem>>, vector<16xf32>,
      tpu.vector_store %arg10[%swap3A_48, %swap3A_49], %broadcast_in_dim3A_47 {strides = array<i32>} : memref<128x128xf32, #tpu.memory_space<vmem>>, vector<16xf32>,
      %broadcast_in_dim3A_51 = arith.constant 0.000000e+00 : f32
      %broadcast_in_dim3A_52 = vector.broadcast %broadcast_in_dim3A_51 : f32 to vector<16xf32>
      %swap3A_53 = arith.index_cast %scan3A_27 : i32 to index
      %swap3A_54 = arith.constant 80 : index
      %swap3A_55 = tpu.vector_load %arg10[%swap3A_53, %swap3A_54] {strides = array<i32>} : memref<128x128xf32, #tpu.memory_space<vmem>>, vector<16xf32>,
      tpu.vector_store %arg10[%swap3A_53, %swap3A_54], %broadcast_in_dim3A_52 {strides = array<i32>} : memref<128x128xf32, #tpu.memory_space<vmem>>, vector<16xf32>,
      %broadcast_in_dim3A_56 = arith.constant 0.000000e+00 : f32
      %broadcast_in_dim3A_57 = vector.broadcast %broadcast_in_dim3A_56 : f32 to vector<16xf32>
      %swap3A_58 = arith.index_cast %scan3A_27 : i32 to index
      %swap3A_59 = arith.constant 96 : index
      %swap3A_60 = tpu.vector_load %arg10[%swap3A_58, %swap3A_59] {strides = array<i32>} : memref<128x128xf32, #tpu.memory_space<vmem>>, vector<16xf32>,
      tpu.vector_store %arg10[%swap3A_58, %swap3A_59], %broadcast_in_dim3A_57 {strides = array<i32>} : memref<128x128xf32, #tpu.memory_space<vmem>>, vector<16xf32>,
      %broadcast_in_dim3A_61 = arith.constant 0.000000e+00 : f32
      %broadcast_in_dim3A_62 = vector.broadcast %broadcast_in_dim3A_61 : f32 to vector<16xf32>
      %swap3A_63 = arith.index_cast %scan3A_27 : i32 to index
      %swap3A_64 = arith.constant 112 : index
      %swap3A_65 = tpu.vector_load %arg10[%swap3A_63, %swap3A_64] {strides = array<i32>} : memref<128x128xf32, #tpu.memory_space<vmem>>, vector<16xf32>,
      tpu.vector_store %arg10[%swap3A_63, %swap3A_64], %broadcast_in_dim3A_62 {strides = array<i32>} : memref<128x128xf32, #tpu.memory_space<vmem>>, vector<16xf32>,
    }
    %scan3A_5 = arith.constant 128 : i32
    %mul3A_6 = arith.constant 632 : i32
    %mul3A_7 = arith.muli %arg1, %mul3A_6 : i32
    %add3A_8 = arith.constant 0 : i32
    %add3A_9 = arith.addi %mul3A_7, %add3A_8 : i32
    "tpu.region"() ({
      %run_scoped3A = tpu.sem_alloc : memref<!tpu.dma_semaphore, #tpu.memory_space<semaphore_mem>>
      %dma_start3A = arith.constant 0 : i32
      %dma_start3A_27 = tpu.memref_slice %arg11[%add3A_9, %dma_start3A] : memref<10112x128xf32, #tpu.memory_space<vmem_shared>> -> memref<128x128xf32, #tpu.memory_space<vmem_shared>>
      %dma_start3A_28 = arith.constant 0 : i32
      %dma_start3A_29 = tpu.memref_slice %arg11[%add3A_9, %dma_start3A_28] : memref<10112x128xf32, #tpu.memory_space<vmem_shared>> -> memref<128x128xf32, #tpu.memory_space<vmem_shared>>
      tpu.enqueue_dma source(%arg10 : memref<128x128xf32, #tpu.memory_space<vmem>>) target(%dma_start3A_29 : memref<128x128xf32, #tpu.memory_space<vmem_shared>>) target_semaphore(%run_scoped3A : memref<!tpu.dma_semaphore, #tpu.memory_space<semaphore_mem>>)
      %dma_wait3A = arith.constant 0 : i32
      %dma_wait3A_30 = tpu.memref_slice %arg11[%add3A_9, %dma_wait3A] : memref<10112x128xf32, #tpu.memory_space<vmem_shared>> -> memref<128x128xf32, #tpu.memory_space<vmem_shared>>
      %dma_wait3A_31 = arith.constant 0 : i32
      %dma_wait3A_32 = tpu.memref_slice %arg11[%add3A_9, %dma_wait3A_31] : memref<10112x128xf32, #tpu.memory_space<vmem_shared>> -> memref<128x128xf32, #tpu.memory_space<vmem_shared>>
      tpu.wait_dma2 semaphore(%run_scoped3A : memref<!tpu.dma_semaphore, #tpu.memory_space<semaphore_mem>>) src(%arg10 : memref<128x128xf32, #tpu.memory_space<vmem>>) dst(%dma_wait3A_32 : memref<128x128xf32, #tpu.memory_space<vmem_shared>>)
      tpu.yield
    }) : () -> ()
    %add3A_10 = arith.constant 128 : i32
    %add3A_11 = arith.addi %mul3A_7, %add3A_10 : i32
    "tpu.region"() ({
      %run_scoped3A = tpu.sem_alloc : memref<!tpu.dma_semaphore, #tpu.memory_space<semaphore_mem>>
      %dma_start3A = arith.constant 0 : i32
      %dma_start3A_27 = tpu.memref_slice %arg11[%add3A_11, %dma_start3A] : memref<10112x128xf32, #tpu.memory_space<vmem_shared>> -> memref<128x128xf32, #tpu.memory_space<vmem_shared>>
      %dma_start3A_28 = arith.constant 0 : i32
      %dma_start3A_29 = tpu.memref_slice %arg11[%add3A_11, %dma_start3A_28] : memref<10112x128xf32, #tpu.memory_space<vmem_shared>> -> memref<128x128xf32, #tpu.memory_space<vmem_shared>>
      tpu.enqueue_dma source(%arg10 : memref<128x128xf32, #tpu.memory_space<vmem>>) target(%dma_start3A_29 : memref<128x128xf32, #tpu.memory_space<vmem_shared>>) target_semaphore(%run_scoped3A : memref<!tpu.dma_semaphore, #tpu.memory_space<semaphore_mem>>)
      %dma_wait3A = arith.constant 0 : i32
      %dma_wait3A_30 = tpu.memref_slice %arg11[%add3A_11, %dma_wait3A] : memref<10112x128xf32, #tpu.memory_space<vmem_shared>> -> memref<128x128xf32, #tpu.memory_space<vmem_shared>>
      %dma_wait3A_31 = arith.constant 0 : i32
      %dma_wait3A_32 = tpu.memref_slice %arg11[%add3A_11, %dma_wait3A_31] : memref<10112x128xf32, #tpu.memory_space<vmem_shared>> -> memref<128x128xf32, #tpu.memory_space<vmem_shared>>
      tpu.wait_dma2 semaphore(%run_scoped3A : memref<!tpu.dma_semaphore, #tpu.memory_space<semaphore_mem>>) src(%arg10 : memref<128x128xf32, #tpu.memory_space<vmem>>) dst(%dma_wait3A_32 : memref<128x128xf32, #tpu.memory_space<vmem_shared>>)
      tpu.yield
    }) : () -> ()
    %add3A_12 = arith.constant 256 : i32
    %add3A_13 = arith.addi %mul3A_7, %add3A_12 : i32
    "tpu.region"() ({
      %run_scoped3A = tpu.sem_alloc : memref<!tpu.dma_semaphore, #tpu.memory_space<semaphore_mem>>
      %dma_start3A = arith.constant 0 : i32
      %dma_start3A_27 = tpu.memref_slice %arg11[%add3A_13, %dma_start3A] : memref<10112x128xf32, #tpu.memory_space<vmem_shared>> -> memref<128x128xf32, #tpu.memory_space<vmem_shared>>
      %dma_start3A_28 = arith.constant 0 : i32
      %dma_start3A_29 = tpu.memref_slice %arg11[%add3A_13, %dma_start3A_28] : memref<10112x128xf32, #tpu.memory_space<vmem_shared>> -> memref<128x128xf32, #tpu.memory_space<vmem_shared>>
      tpu.enqueue_dma source(%arg10 : memref<128x128xf32, #tpu.memory_space<vmem>>) target(%dma_start3A_29 : memref<128x128xf32, #tpu.memory_space<vmem_shared>>) target_semaphore(%run_scoped3A : memref<!tpu.dma_semaphore, #tpu.memory_space<semaphore_mem>>)
      %dma_wait3A = arith.constant 0 : i32
      %dma_wait3A_30 = tpu.memref_slice %arg11[%add3A_13, %dma_wait3A] : memref<10112x128xf32, #tpu.memory_space<vmem_shared>> -> memref<128x128xf32, #tpu.memory_space<vmem_shared>>
      %dma_wait3A_31 = arith.constant 0 : i32
      %dma_wait3A_32 = tpu.memref_slice %arg11[%add3A_13, %dma_wait3A_31] : memref<10112x128xf32, #tpu.memory_space<vmem_shared>> -> memref<128x128xf32, #tpu.memory_space<vmem_shared>>
      tpu.wait_dma2 semaphore(%run_scoped3A : memref<!tpu.dma_semaphore, #tpu.memory_space<semaphore_mem>>) src(%arg10 : memref<128x128xf32, #tpu.memory_space<vmem>>) dst(%dma_wait3A_32 : memref<128x128xf32, #tpu.memory_space<vmem_shared>>)
      tpu.yield
    }) : () -> ()
    %add3A_14 = arith.constant 384 : i32
    %add3A_15 = arith.addi %mul3A_7, %add3A_14 : i32
    "tpu.region"() ({
      %run_scoped3A = tpu.sem_alloc : memref<!tpu.dma_semaphore, #tpu.memory_space<semaphore_mem>>
      %dma_start3A = arith.constant 0 : i32
      %dma_start3A_27 = tpu.memref_slice %arg11[%add3A_15, %dma_start3A] : memref<10112x128xf32, #tpu.memory_space<vmem_shared>> -> memref<128x128xf32, #tpu.memory_space<vmem_shared>>
      %dma_start3A_28 = arith.constant 0 : i32
      %dma_start3A_29 = tpu.memref_slice %arg11[%add3A_15, %dma_start3A_28] : memref<10112x128xf32, #tpu.memory_space<vmem_shared>> -> memref<128x128xf32, #tpu.memory_space<vmem_shared>>
      tpu.enqueue_dma source(%arg10 : memref<128x128xf32, #tpu.memory_space<vmem>>) target(%dma_start3A_29 : memref<128x128xf32, #tpu.memory_space<vmem_shared>>) target_semaphore(%run_scoped3A : memref<!tpu.dma_semaphore, #tpu.memory_space<semaphore_mem>>)
      %dma_wait3A = arith.constant 0 : i32
      %dma_wait3A_30 = tpu.memref_slice %arg11[%add3A_15, %dma_wait3A] : memref<10112x128xf32, #tpu.memory_space<vmem_shared>> -> memref<128x128xf32, #tpu.memory_space<vmem_shared>>
      %dma_wait3A_31 = arith.constant 0 : i32
      %dma_wait3A_32 = tpu.memref_slice %arg11[%add3A_15, %dma_wait3A_31] : memref<10112x128xf32, #tpu.memory_space<vmem_shared>> -> memref<128x128xf32, #tpu.memory_space<vmem_shared>>
      tpu.wait_dma2 semaphore(%run_scoped3A : memref<!tpu.dma_semaphore, #tpu.memory_space<semaphore_mem>>) src(%arg10 : memref<128x128xf32, #tpu.memory_space<vmem>>) dst(%dma_wait3A_32 : memref<128x128xf32, #tpu.memory_space<vmem_shared>>)
      tpu.yield
    }) : () -> ()
    %add3A_16 = arith.constant 512 : i32
    %add3A_17 = arith.addi %mul3A_7, %add3A_16 : i32
    "tpu.region"() ({
      %run_scoped3A = tpu.sem_alloc : memref<!tpu.dma_semaphore, #tpu.memory_space<semaphore_mem>>
      %dma_start3A = arith.constant 0 : i32
      %dma_start3A_27 = arith.constant 0 : i32
      %dma_start3A_28 = tpu.memref_slice %arg10[%dma_start3A, %dma_start3A_27] : memref<128x128xf32, #tpu.memory_space<vmem>> -> memref<120x128xf32, #tpu.memory_space<vmem>>
      %dma_start3A_29 = arith.constant 0 : i32
      %dma_start3A_30 = tpu.memref_slice %arg11[%add3A_17, %dma_start3A_29] : memref<10112x128xf32, #tpu.memory_space<vmem_shared>> -> memref<120x128xf32, #tpu.memory_space<vmem_shared>>
      %dma_start3A_31 = arith.constant 0 : i32
      %dma_start3A_32 = tpu.memref_slice %arg11[%add3A_17, %dma_start3A_31] : memref<10112x128xf32, #tpu.memory_space<vmem_shared>> -> memref<120x128xf32, #tpu.memory_space<vmem_shared>>
      %dma_start3A_33 = arith.constant 0 : i32
      %dma_start3A_34 = arith.constant 0 : i32
      %dma_start3A_35 = tpu.memref_slice %arg10[%dma_start3A_33, %dma_start3A_34] : memref<128x128xf32, #tpu.memory_space<vmem>> -> memref<120x128xf32, #tpu.memory_space<vmem>>
      tpu.enqueue_dma source(%dma_start3A_35 : memref<120x128xf32, #tpu.memory_space<vmem>>) target(%dma_start3A_32 : memref<120x128xf32, #tpu.memory_space<vmem_shared>>) target_semaphore(%run_scoped3A : memref<!tpu.dma_semaphore, #tpu.memory_space<semaphore_mem>>)
      %dma_wait3A = arith.constant 0 : i32
      %dma_wait3A_36 = arith.constant 0 : i32
      %dma_wait3A_37 = tpu.memref_slice %arg10[%dma_wait3A, %dma_wait3A_36] : memref<128x128xf32, #tpu.memory_space<vmem>> -> memref<120x128xf32, #tpu.memory_space<vmem>>
      %dma_wait3A_38 = arith.constant 0 : i32
      %dma_wait3A_39 = tpu.memref_slice %arg11[%add3A_17, %dma_wait3A_38] : memref<10112x128xf32, #tpu.memory_space<vmem_shared>> -> memref<120x128xf32, #tpu.memory_space<vmem_shared>>
      %dma_wait3A_40 = arith.constant 0 : i32
      %dma_wait3A_41 = tpu.memref_slice %arg11[%add3A_17, %dma_wait3A_40] : memref<10112x128xf32, #tpu.memory_space<vmem_shared>> -> memref<120x128xf32, #tpu.memory_space<vmem_shared>>
      %dma_wait3A_42 = arith.constant 0 : i32
      %dma_wait3A_43 = arith.constant 0 : i32
      %dma_wait3A_44 = tpu.memref_slice %arg10[%dma_wait3A_42, %dma_wait3A_43] : memref<128x128xf32, #tpu.memory_space<vmem>> -> memref<120x128xf32, #tpu.memory_space<vmem>>
      tpu.wait_dma2 semaphore(%run_scoped3A : memref<!tpu.dma_semaphore, #tpu.memory_space<semaphore_mem>>) src(%dma_wait3A_44 : memref<120x128xf32, #tpu.memory_space<vmem>>) dst(%dma_wait3A_41 : memref<120x128xf32, #tpu.memory_space<vmem_shared>>)
      tpu.yield
    }) : () -> ()
    %barrier3A = arith.constant 0 : index
    tpu.barrier barrier_id(%barrier3A)
    %mul3A_18 = arith.constant 10112 : i32
    %mul3A_19 = arith.muli %add3A, %mul3A_18 : i32
    %scan3A_20 = arith.constant 0 : i32
    %scan3A_21 = arith.constant 0 : i32
    %scan3A_22 = arith.constant 79 : i32
    %scan3A_23 = arith.addi %scan3A_21, %scan3A_22 : i32
    %scan3A_24 = arith.constant 1 : i32
    scf.for %scan3A_27 = %scan3A_21 to %scan3A_23 step %scan3A_24  : i32 {
      %mul3A_28 = arith.constant 128 : i32
      %mul3A_29 = arith.muli %scan3A_27, %mul3A_28 : i32
      %add3A_30 = arith.addi %mul3A_19, %mul3A_29 : i32
      "tpu.region"() ({
        %run_scoped3A = tpu.sem_alloc : memref<!tpu.dma_semaphore, #tpu.memory_space<semaphore_mem>>
        %dma_start3A_41 = tpu.memref_slice %arg3[%add3A_30] : memref<323584xi32, #tpu.memory_space<hbm>> -> memref<128xi32, #tpu.memory_space<hbm>>
        %dma_start3A_42 = tpu.memref_slice %arg3[%add3A_30] : memref<323584xi32, #tpu.memory_space<hbm>> -> memref<128xi32, #tpu.memory_space<hbm>>
        tpu.enqueue_dma source(%dma_start3A_42 : memref<128xi32, #tpu.memory_space<hbm>>) target(%arg7 : memref<128xi32, #tpu.memory_space<vmem>>) target_semaphore(%run_scoped3A : memref<!tpu.dma_semaphore, #tpu.memory_space<semaphore_mem>>)
        %dma_wait3A_43 = tpu.memref_slice %arg3[%add3A_30] : memref<323584xi32, #tpu.memory_space<hbm>> -> memref<128xi32, #tpu.memory_space<hbm>>
        %dma_wait3A_44 = tpu.memref_slice %arg3[%add3A_30] : memref<323584xi32, #tpu.memory_space<hbm>> -> memref<128xi32, #tpu.memory_space<hbm>>
        tpu.wait_dma2 semaphore(%run_scoped3A : memref<!tpu.dma_semaphore, #tpu.memory_space<semaphore_mem>>) src(%dma_wait3A_44 : memref<128xi32, #tpu.memory_space<hbm>>) dst(%arg7 : memref<128xi32, #tpu.memory_space<vmem>>)
        tpu.yield
      }) : () -> ()
      "tpu.region"() ({
        %run_scoped3A = tpu.sem_alloc : memref<!tpu.dma_semaphore, #tpu.memory_space<semaphore_mem>>
        %dma_start3A_41 = tpu.memref_slice %arg4[%add3A_30] : memref<323584xi32, #tpu.memory_space<hbm>> -> memref<128xi32, #tpu.memory_space<hbm>>
        %dma_start3A_42 = tpu.memref_slice %arg4[%add3A_30] : memref<323584xi32, #tpu.memory_space<hbm>> -> memref<128xi32, #tpu.memory_space<hbm>>
        tpu.enqueue_dma source(%dma_start3A_42 : memref<128xi32, #tpu.memory_space<hbm>>) target(%arg8 : memref<128xi32, #tpu.memory_space<vmem>>) target_semaphore(%run_scoped3A : memref<!tpu.dma_semaphore, #tpu.memory_space<semaphore_mem>>)
        %dma_wait3A_43 = tpu.memref_slice %arg4[%add3A_30] : memref<323584xi32, #tpu.memory_space<hbm>> -> memref<128xi32, #tpu.memory_space<hbm>>
        %dma_wait3A_44 = tpu.memref_slice %arg4[%add3A_30] : memref<323584xi32, #tpu.memory_space<hbm>> -> memref<128xi32, #tpu.memory_space<hbm>>
        tpu.wait_dma2 semaphore(%run_scoped3A : memref<!tpu.dma_semaphore, #tpu.memory_space<semaphore_mem>>) src(%dma_wait3A_44 : memref<128xi32, #tpu.memory_space<hbm>>) dst(%arg8 : memref<128xi32, #tpu.memory_space<vmem>>)
        tpu.yield
      }) : () -> ()
      "tpu.region"() ({
        %run_scoped3A = tpu.sem_alloc : memref<!tpu.dma_semaphore, #tpu.memory_space<semaphore_mem>>
        %dma_start3A_41 = tpu.memref_slice %arg5[%add3A_30] : memref<323584xf32, #tpu.memory_space<hbm>> -> memref<128xf32, #tpu.memory_space<hbm>>
        %dma_start3A_42 = tpu.memref_slice %arg5[%add3A_30] : memref<323584xf32, #tpu.memory_space<hbm>> -> memref<128xf32, #tpu.memory_space<hbm>>
        tpu.enqueue_dma source(%dma_start3A_42 : memref<128xf32, #tpu.memory_space<hbm>>) target(%arg9 : memref<128xf32, #tpu.memory_space<vmem>>) target_semaphore(%run_scoped3A : memref<!tpu.dma_semaphore, #tpu.memory_space<semaphore_mem>>)
        %dma_wait3A_43 = tpu.memref_slice %arg5[%add3A_30] : memref<323584xf32, #tpu.memory_space<hbm>> -> memref<128xf32, #tpu.memory_space<hbm>>
        %dma_wait3A_44 = tpu.memref_slice %arg5[%add3A_30] : memref<323584xf32, #tpu.memory_space<hbm>> -> memref<128xf32, #tpu.memory_space<hbm>>
        tpu.wait_dma2 semaphore(%run_scoped3A : memref<!tpu.dma_semaphore, #tpu.memory_space<semaphore_mem>>) src(%dma_wait3A_44 : memref<128xf32, #tpu.memory_space<hbm>>) dst(%arg9 : memref<128xf32, #tpu.memory_space<vmem>>)
        tpu.yield
      }) : () -> ()
      %dma_start3A = arith.constant 0 : i32
      %dma_start3A_31 = arith.constant 0 : i32
      %dma_start3A_32 = tpu.memref_slice %arg2[%dma_start3A, %dma_start3A_31] : memref<10000x128xf32, #tpu.memory_space<hbm>> -> memref<10000x128xf32, #tpu.memory_space<hbm>>
      tpu.enqueue_indirect_dma source(%dma_start3A_32 : memref<10000x128xf32, #tpu.memory_space<hbm>>) target(%arg10 : memref<128x128xf32, #tpu.memory_space<vmem>>) offsets(%arg7 : memref<128xi32, #tpu.memory_space<vmem>>) semaphore(%arg12 : memref<!tpu.dma_semaphore, #tpu.memory_space<semaphore_mem>>)
      %dma_wait3A = arith.constant 0 : i32
      %dma_wait3A_33 = arith.constant 0 : i32
      %dma_wait3A_34 = tpu.memref_slice %arg2[%dma_wait3A, %dma_wait3A_33] : memref<10000x128xf32, #tpu.memory_space<hbm>> -> memref<10000x128xf32, #tpu.memory_space<hbm>>
      tpu.wait_indirect_dma semaphore(%arg12 : memref<!tpu.dma_semaphore, #tpu.memory_space<semaphore_mem>>) src(%dma_wait3A_34 : memref<10000x128xf32, #tpu.memory_space<hbm>>) dst(%arg10 : memref<128x128xf32, #tpu.memory_space<vmem>>)
      %scan3A_35 = arith.constant 0 : i32
      %scan3A_36 = arith.constant 0 : i32
      %scan3A_37 = arith.constant 128 : i32
      %scan3A_38 = arith.addi %scan3A_36, %scan3A_37 : i32
      %scan3A_39 = arith.constant 1 : i32
      scf.for %scan3A_41 = %scan3A_36 to %scan3A_38 step %scan3A_39  : i32 {
        %broadcast_in_dim3A = vector.broadcast %scan3A_41 : i32 to vector<16xi32>
        %gather3A = tpu.vector_load_idx %arg9[%broadcast_in_dim3A] : memref<128xf32, #tpu.memory_space<vmem>>[vector<16xi32>], vector<16xf32>,
        %get3A = arith.index_cast %scan3A_41 : i32 to index
        %get3A_42 = arith.constant 0 : index
        %get3A_43 = tpu.vector_load %arg10[%get3A, %get3A_42] {strides = array<i32>} : memref<128x128xf32, #tpu.memory_space<vmem>>, vector<16xf32>,
        %mul3A_44 = arith.mulf %get3A_43, %gather3A : vector<16xf32>
        %swap3A = arith.index_cast %scan3A_41 : i32 to index
        %swap3A_45 = arith.constant 0 : index
        %swap3A_46 = tpu.vector_load %arg10[%swap3A, %swap3A_45] {strides = array<i32>} : memref<128x128xf32, #tpu.memory_space<vmem>>, vector<16xf32>,
        tpu.vector_store %arg10[%swap3A, %swap3A_45], %mul3A_44 {strides = array<i32>} : memref<128x128xf32, #tpu.memory_space<vmem>>, vector<16xf32>,
        %get3A_47 = arith.index_cast %scan3A_41 : i32 to index
        %get3A_48 = arith.constant 16 : index
        %get3A_49 = tpu.vector_load %arg10[%get3A_47, %get3A_48] {strides = array<i32>} : memref<128x128xf32, #tpu.memory_space<vmem>>, vector<16xf32>,
        %mul3A_50 = arith.mulf %get3A_49, %gather3A : vector<16xf32>
        %swap3A_51 = arith.index_cast %scan3A_41 : i32 to index
        %swap3A_52 = arith.constant 16 : index
        %swap3A_53 = tpu.vector_load %arg10[%swap3A_51, %swap3A_52] {strides = array<i32>} : memref<128x128xf32, #tpu.memory_space<vmem>>, vector<16xf32>,
        tpu.vector_store %arg10[%swap3A_51, %swap3A_52], %mul3A_50 {strides = array<i32>} : memref<128x128xf32, #tpu.memory_space<vmem>>, vector<16xf32>,
        %get3A_54 = arith.index_cast %scan3A_41 : i32 to index
        %get3A_55 = arith.constant 32 : index
        %get3A_56 = tpu.vector_load %arg10[%get3A_54, %get3A_55] {strides = array<i32>} : memref<128x128xf32, #tpu.memory_space<vmem>>, vector<16xf32>,
        %mul3A_57 = arith.mulf %get3A_56, %gather3A : vector<16xf32>
        %swap3A_58 = arith.index_cast %scan3A_41 : i32 to index
        %swap3A_59 = arith.constant 32 : index
        %swap3A_60 = tpu.vector_load %arg10[%swap3A_58, %swap3A_59] {strides = array<i32>} : memref<128x128xf32, #tpu.memory_space<vmem>>, vector<16xf32>,
        tpu.vector_store %arg10[%swap3A_58, %swap3A_59], %mul3A_57 {strides = array<i32>} : memref<128x128xf32, #tpu.memory_space<vmem>>, vector<16xf32>,
        %get3A_61 = arith.index_cast %scan3A_41 : i32 to index
        %get3A_62 = arith.constant 48 : index
        %get3A_63 = tpu.vector_load %arg10[%get3A_61, %get3A_62] {strides = array<i32>} : memref<128x128xf32, #tpu.memory_space<vmem>>, vector<16xf32>,
        %mul3A_64 = arith.mulf %get3A_63, %gather3A : vector<16xf32>
        %swap3A_65 = arith.index_cast %scan3A_41 : i32 to index
        %swap3A_66 = arith.constant 48 : index
        %swap3A_67 = tpu.vector_load %arg10[%swap3A_65, %swap3A_66] {strides = array<i32>} : memref<128x128xf32, #tpu.memory_space<vmem>>, vector<16xf32>,
        tpu.vector_store %arg10[%swap3A_65, %swap3A_66], %mul3A_64 {strides = array<i32>} : memref<128x128xf32, #tpu.memory_space<vmem>>, vector<16xf32>,
        %get3A_68 = arith.index_cast %scan3A_41 : i32 to index
        %get3A_69 = arith.constant 64 : index
        %get3A_70 = tpu.vector_load %arg10[%get3A_68, %get3A_69] {strides = array<i32>} : memref<128x128xf32, #tpu.memory_space<vmem>>, vector<16xf32>,
        %mul3A_71 = arith.mulf %get3A_70, %gather3A : vector<16xf32>
        %swap3A_72 = arith.index_cast %scan3A_41 : i32 to index
        %swap3A_73 = arith.constant 64 : index
        %swap3A_74 = tpu.vector_load %arg10[%swap3A_72, %swap3A_73] {strides = array<i32>} : memref<128x128xf32, #tpu.memory_space<vmem>>, vector<16xf32>,
        tpu.vector_store %arg10[%swap3A_72, %swap3A_73], %mul3A_71 {strides = array<i32>} : memref<128x128xf32, #tpu.memory_space<vmem>>, vector<16xf32>,
        %get3A_75 = arith.index_cast %scan3A_41 : i32 to index
        %get3A_76 = arith.constant 80 : index
        %get3A_77 = tpu.vector_load %arg10[%get3A_75, %get3A_76] {strides = array<i32>} : memref<128x128xf32, #tpu.memory_space<vmem>>, vector<16xf32>,
        %mul3A_78 = arith.mulf %get3A_77, %gather3A : vector<16xf32>
        %swap3A_79 = arith.index_cast %scan3A_41 : i32 to index
        %swap3A_80 = arith.constant 80 : index
        %swap3A_81 = tpu.vector_load %arg10[%swap3A_79, %swap3A_80] {strides = array<i32>} : memref<128x128xf32, #tpu.memory_space<vmem>>, vector<16xf32>,
        tpu.vector_store %arg10[%swap3A_79, %swap3A_80], %mul3A_78 {strides = array<i32>} : memref<128x128xf32, #tpu.memory_space<vmem>>, vector<16xf32>,
        %get3A_82 = arith.index_cast %scan3A_41 : i32 to index
        %get3A_83 = arith.constant 96 : index
        %get3A_84 = tpu.vector_load %arg10[%get3A_82, %get3A_83] {strides = array<i32>} : memref<128x128xf32, #tpu.memory_space<vmem>>, vector<16xf32>,
        %mul3A_85 = arith.mulf %get3A_84, %gather3A : vector<16xf32>
        %swap3A_86 = arith.index_cast %scan3A_41 : i32 to index
        %swap3A_87 = arith.constant 96 : index
        %swap3A_88 = tpu.vector_load %arg10[%swap3A_86, %swap3A_87] {strides = array<i32>} : memref<128x128xf32, #tpu.memory_space<vmem>>, vector<16xf32>,
        tpu.vector_store %arg10[%swap3A_86, %swap3A_87], %mul3A_85 {strides = array<i32>} : memref<128x128xf32, #tpu.memory_space<vmem>>, vector<16xf32>,
        %get3A_89 = arith.index_cast %scan3A_41 : i32 to index
        %get3A_90 = arith.constant 112 : index
        %get3A_91 = tpu.vector_load %arg10[%get3A_89, %get3A_90] {strides = array<i32>} : memref<128x128xf32, #tpu.memory_space<vmem>>, vector<16xf32>,
        %mul3A_92 = arith.mulf %get3A_91, %gather3A : vector<16xf32>
        %swap3A_93 = arith.index_cast %scan3A_41 : i32 to index
        %swap3A_94 = arith.constant 112 : index
        %swap3A_95 = tpu.vector_load %arg10[%swap3A_93, %swap3A_94] {strides = array<i32>} : memref<128x128xf32, #tpu.memory_space<vmem>>, vector<16xf32>,
        tpu.vector_store %arg10[%swap3A_93, %swap3A_94], %mul3A_92 {strides = array<i32>} : memref<128x128xf32, #tpu.memory_space<vmem>>, vector<16xf32>,
      }
      %scan3A_40 = arith.constant 128 : i32
      "tpu.region"() ({
        %run_scoped3A = tpu.sem_alloc : memref<!tpu.dma_semaphore, #tpu.memory_space<semaphore_mem>>
        %dma_start3A_41 = arith.constant 0 : i32
        %dma_start3A_42 = arith.constant 0 : i32
        %dma_start3A_43 = tpu.memref_slice %arg11[%dma_start3A_41, %dma_start3A_42] : memref<10112x128xf32, #tpu.memory_space<vmem_shared>> -> memref<10112x128xf32, #tpu.memory_space<vmem_shared>>
        tpu.enqueue_indirect_dma source(%arg10 : memref<128x128xf32, #tpu.memory_space<vmem>>) target(%dma_start3A_43 : memref<10112x128xf32, #tpu.memory_space<vmem_shared>>) offsets(%arg8 : memref<128xi32, #tpu.memory_space<vmem>>) semaphore(%run_scoped3A : memref<!tpu.dma_semaphore, #tpu.memory_space<semaphore_mem>>) {add = true}
        %dma_wait3A_44 = arith.constant 0 : i32
        %dma_wait3A_45 = arith.constant 0 : i32
        %dma_wait3A_46 = tpu.memref_slice %arg11[%dma_wait3A_44, %dma_wait3A_45] : memref<10112x128xf32, #tpu.memory_space<vmem_shared>> -> memref<10112x128xf32, #tpu.memory_space<vmem_shared>>
        tpu.wait_indirect_dma semaphore(%run_scoped3A : memref<!tpu.dma_semaphore, #tpu.memory_space<semaphore_mem>>) src(%arg10 : memref<128x128xf32, #tpu.memory_space<vmem>>) dst(%dma_wait3A_46 : memref<10112x128xf32, #tpu.memory_space<vmem_shared>>)
        tpu.yield
      }) : () -> ()
    }
    %scan3A_25 = arith.constant 79 : i32
    %barrier3A_26 = arith.constant 0 : index
    tpu.barrier barrier_id(%barrier3A_26)
    "tpu.region"() ({
      %run_scoped3A = tpu.sem_alloc : memref<!tpu.dma_semaphore, #tpu.memory_space<semaphore_mem>>
      %dma_start3A = arith.constant 0 : i32
      %dma_start3A_27 = tpu.memref_slice %arg6[%arg0, %mul3A_7, %dma_start3A] : memref<2x10112x128xf32, #tpu.memory_space<hbm>> -> memref<1x632x128xf32, #tpu.memory_space<hbm>>
      %dma_start3A_28 = tpu.memref_squeeze %dma_start3A_27 : memref<1x632x128xf32, #tpu.memory_space<hbm>> -> memref<632x128xf32, #tpu.memory_space<hbm>>
      %dma_start3A_29 = arith.constant 0 : i32
      %dma_start3A_30 = tpu.memref_slice %arg11[%mul3A_7, %dma_start3A_29] : memref<10112x128xf32, #tpu.memory_space<vmem_shared>> -> memref<632x128xf32, #tpu.memory_space<vmem_shared>>
      tpu.enqueue_dma source(%dma_start3A_30 : memref<632x128xf32, #tpu.memory_space<vmem_shared>>) target(%dma_start3A_28 : memref<632x128xf32, #tpu.memory_space<hbm>>) target_semaphore(%run_scoped3A : memref<!tpu.dma_semaphore, #tpu.memory_space<semaphore_mem>>)
      %dma_wait3A = arith.constant 0 : i32
      %dma_wait3A_31 = tpu.memref_slice %arg6[%arg0, %mul3A_7, %dma_wait3A] : memref<2x10112x128xf32, #tpu.memory_space<hbm>> -> memref<1x632x128xf32, #tpu.memory_space<hbm>>
      %dma_wait3A_32 = tpu.memref_squeeze %dma_wait3A_31 : memref<1x632x128xf32, #tpu.memory_space<hbm>> -> memref<632x128xf32, #tpu.memory_space<hbm>>
      %dma_wait3A_33 = arith.constant 0 : i32
      %dma_wait3A_34 = tpu.memref_slice %arg11[%mul3A_7, %dma_wait3A_33] : memref<10112x128xf32, #tpu.memory_space<vmem_shared>> -> memref<632x128xf32, #tpu.memory_space<vmem_shared>>
      tpu.wait_dma2 semaphore(%run_scoped3A : memref<!tpu.dma_semaphore, #tpu.memory_space<semaphore_mem>>) src(%dma_wait3A_34 : memref<632x128xf32, #tpu.memory_space<vmem_shared>>) dst(%dma_wait3A_32 : memref<632x128xf32, #tpu.memory_space<hbm>>)
      tpu.yield
    }) : () -> ()
    return
  }
}

#map = affine_map<(d0, d1) -> (0, 0)>
#map1 = affine_map<(d0, d1) -> (0)>
#map2 = affine_map<(d0, d1) -> (0, 0, 0)>
module attributes {stable_mosaic.version = 14 : i64} {
  func.func @edge_kernel(%arg0: i32, %arg1: i32, %arg2: memref<10000x128xf32, #tpu.memory_space<hbm>>, %arg3: memref<323584xi32, #tpu.memory_space<hbm>>, %arg4: memref<323584xi32, #tpu.memory_space<hbm>>, %arg5: memref<323584xf32, #tpu.memory_space<hbm>>, %arg6: memref<2x10112x128xf32, #tpu.memory_space<hbm>>, %arg7: memref<128xi32, #tpu.memory_space<vmem>>, %arg8: memref<128xi32, #tpu.memory_space<vmem>>, %arg9: memref<128xf32, #tpu.memory_space<vmem>>, %arg10: memref<128x128xf32, #tpu.memory_space<vmem>>, %arg11: memref<10112x128xf32, #tpu.memory_space<vmem_shared>>, %arg12: memref<!tpu.dma_semaphore, #tpu.memory_space<semaphore_mem>>) attributes {dimension_semantics = [#tpu.dimension_semantics<core_parallel>, #tpu.dimension_semantics<subcore_parallel>], iteration_bounds = array<i64: 2, 16>, scalar_prefetch = 0 : i64, scratch_operands = 6 : i64, tpu.core_type = #tpu.core_type<sc_vector_subcore>, window_params = [{transform_indices = #map}, {transform_indices = #map1}, {transform_indices = #map1}, {transform_indices = #map1}, {transform_indices = #map2}]} {
    %mul3A = arith.constant 16 : i32
    %mul3A_0 = arith.muli %arg0, %mul3A : i32
    %add3A = arith.addi %mul3A_0, %arg1 : i32
    %scan3A = arith.constant 0 : i32
    %scan3A_1 = arith.constant 0 : i32
    %scan3A_2 = arith.constant 128 : i32
    %scan3A_3 = arith.addi %scan3A_1, %scan3A_2 : i32
    %scan3A_4 = arith.constant 1 : i32
    scf.for %scan3A_27 = %scan3A_1 to %scan3A_3 step %scan3A_4  : i32 {
      %broadcast_in_dim3A = arith.constant 0.000000e+00 : f32
      %broadcast_in_dim3A_28 = vector.broadcast %broadcast_in_dim3A : f32 to vector<16xf32>
      %swap3A = arith.index_cast %scan3A_27 : i32 to index
      %swap3A_29 = arith.constant 0 : index
      %swap3A_30 = tpu.vector_load %arg10[%swap3A, %swap3A_29] {strides = array<i32>} : memref<128x128xf32, #tpu.memory_space<vmem>>, vector<16xf32>,
      tpu.vector_store %arg10[%swap3A, %swap3A_29], %broadcast_in_dim3A_28 {strides = array<i32>} : memref<128x128xf32, #tpu.memory_space<vmem>>, vector<16xf32>,
      %broadcast_in_dim3A_31 = arith.constant 0.000000e+00 : f32
      %broadcast_in_dim3A_32 = vector.broadcast %broadcast_in_dim3A_31 : f32 to vector<16xf32>
      %swap3A_33 = arith.index_cast %scan3A_27 : i32 to index
      %swap3A_34 = arith.constant 16 : index
      %swap3A_35 = tpu.vector_load %arg10[%swap3A_33, %swap3A_34] {strides = array<i32>} : memref<128x128xf32, #tpu.memory_space<vmem>>, vector<16xf32>,
      tpu.vector_store %arg10[%swap3A_33, %swap3A_34], %broadcast_in_dim3A_32 {strides = array<i32>} : memref<128x128xf32, #tpu.memory_space<vmem>>, vector<16xf32>,
      %broadcast_in_dim3A_36 = arith.constant 0.000000e+00 : f32
      %broadcast_in_dim3A_37 = vector.broadcast %broadcast_in_dim3A_36 : f32 to vector<16xf32>
      %swap3A_38 = arith.index_cast %scan3A_27 : i32 to index
      %swap3A_39 = arith.constant 32 : index
      %swap3A_40 = tpu.vector_load %arg10[%swap3A_38, %swap3A_39] {strides = array<i32>} : memref<128x128xf32, #tpu.memory_space<vmem>>, vector<16xf32>,
      tpu.vector_store %arg10[%swap3A_38, %swap3A_39], %broadcast_in_dim3A_37 {strides = array<i32>} : memref<128x128xf32, #tpu.memory_space<vmem>>, vector<16xf32>,
      %broadcast_in_dim3A_41 = arith.constant 0.000000e+00 : f32
      %broadcast_in_dim3A_42 = vector.broadcast %broadcast_in_dim3A_41 : f32 to vector<16xf32>
      %swap3A_43 = arith.index_cast %scan3A_27 : i32 to index
      %swap3A_44 = arith.constant 48 : index
      %swap3A_45 = tpu.vector_load %arg10[%swap3A_43, %swap3A_44] {strides = array<i32>} : memref<128x128xf32, #tpu.memory_space<vmem>>, vector<16xf32>,
      tpu.vector_store %arg10[%swap3A_43, %swap3A_44], %broadcast_in_dim3A_42 {strides = array<i32>} : memref<128x128xf32, #tpu.memory_space<vmem>>, vector<16xf32>,
      %broadcast_in_dim3A_46 = arith.constant 0.000000e+00 : f32
      %broadcast_in_dim3A_47 = vector.broadcast %broadcast_in_dim3A_46 : f32 to vector<16xf32>
      %swap3A_48 = arith.index_cast %scan3A_27 : i32 to index
      %swap3A_49 = arith.constant 64 : index
      %swap3A_50 = tpu.vector_load %arg10[%swap3A_48, %swap3A_49] {strides = array<i32>} : memref<128x128xf32, #tpu.memory_space<vmem>>, vector<16xf32>,
      tpu.vector_store %arg10[%swap3A_48, %swap3A_49], %broadcast_in_dim3A_47 {strides = array<i32>} : memref<128x128xf32, #tpu.memory_space<vmem>>, vector<16xf32>,
      %broadcast_in_dim3A_51 = arith.constant 0.000000e+00 : f32
      %broadcast_in_dim3A_52 = vector.broadcast %broadcast_in_dim3A_51 : f32 to vector<16xf32>
      %swap3A_53 = arith.index_cast %scan3A_27 : i32 to index
      %swap3A_54 = arith.constant 80 : index
      %swap3A_55 = tpu.vector_load %arg10[%swap3A_53, %swap3A_54] {strides = array<i32>} : memref<128x128xf32, #tpu.memory_space<vmem>>, vector<16xf32>,
      tpu.vector_store %arg10[%swap3A_53, %swap3A_54], %broadcast_in_dim3A_52 {strides = array<i32>} : memref<128x128xf32, #tpu.memory_space<vmem>>, vector<16xf32>,
      %broadcast_in_dim3A_56 = arith.constant 0.000000e+00 : f32
      %broadcast_in_dim3A_57 = vector.broadcast %broadcast_in_dim3A_56 : f32 to vector<16xf32>
      %swap3A_58 = arith.index_cast %scan3A_27 : i32 to index
      %swap3A_59 = arith.constant 96 : index
      %swap3A_60 = tpu.vector_load %arg10[%swap3A_58, %swap3A_59] {strides = array<i32>} : memref<128x128xf32, #tpu.memory_space<vmem>>, vector<16xf32>,
      tpu.vector_store %arg10[%swap3A_58, %swap3A_59], %broadcast_in_dim3A_57 {strides = array<i32>} : memref<128x128xf32, #tpu.memory_space<vmem>>, vector<16xf32>,
      %broadcast_in_dim3A_61 = arith.constant 0.000000e+00 : f32
      %broadcast_in_dim3A_62 = vector.broadcast %broadcast_in_dim3A_61 : f32 to vector<16xf32>
      %swap3A_63 = arith.index_cast %scan3A_27 : i32 to index
      %swap3A_64 = arith.constant 112 : index
      %swap3A_65 = tpu.vector_load %arg10[%swap3A_63, %swap3A_64] {strides = array<i32>} : memref<128x128xf32, #tpu.memory_space<vmem>>, vector<16xf32>,
      tpu.vector_store %arg10[%swap3A_63, %swap3A_64], %broadcast_in_dim3A_62 {strides = array<i32>} : memref<128x128xf32, #tpu.memory_space<vmem>>, vector<16xf32>,
    }
    %scan3A_5 = arith.constant 128 : i32
    %mul3A_6 = arith.constant 632 : i32
    %mul3A_7 = arith.muli %arg1, %mul3A_6 : i32
    %add3A_8 = arith.constant 0 : i32
    %add3A_9 = arith.addi %mul3A_7, %add3A_8 : i32
    "tpu.region"() ({
      %run_scoped3A = tpu.sem_alloc : memref<!tpu.dma_semaphore, #tpu.memory_space<semaphore_mem>>
      %dma_start3A = arith.constant 0 : i32
      %dma_start3A_27 = tpu.memref_slice %arg11[%add3A_9, %dma_start3A] : memref<10112x128xf32, #tpu.memory_space<vmem_shared>> -> memref<128x128xf32, #tpu.memory_space<vmem_shared>>
      %dma_start3A_28 = arith.constant 0 : i32
      %dma_start3A_29 = tpu.memref_slice %arg11[%add3A_9, %dma_start3A_28] : memref<10112x128xf32, #tpu.memory_space<vmem_shared>> -> memref<128x128xf32, #tpu.memory_space<vmem_shared>>
      tpu.enqueue_dma source(%arg10 : memref<128x128xf32, #tpu.memory_space<vmem>>) target(%dma_start3A_29 : memref<128x128xf32, #tpu.memory_space<vmem_shared>>) target_semaphore(%run_scoped3A : memref<!tpu.dma_semaphore, #tpu.memory_space<semaphore_mem>>)
      %dma_wait3A = arith.constant 0 : i32
      %dma_wait3A_30 = tpu.memref_slice %arg11[%add3A_9, %dma_wait3A] : memref<10112x128xf32, #tpu.memory_space<vmem_shared>> -> memref<128x128xf32, #tpu.memory_space<vmem_shared>>
      %dma_wait3A_31 = arith.constant 0 : i32
      %dma_wait3A_32 = tpu.memref_slice %arg11[%add3A_9, %dma_wait3A_31] : memref<10112x128xf32, #tpu.memory_space<vmem_shared>> -> memref<128x128xf32, #tpu.memory_space<vmem_shared>>
      tpu.wait_dma2 semaphore(%run_scoped3A : memref<!tpu.dma_semaphore, #tpu.memory_space<semaphore_mem>>) src(%arg10 : memref<128x128xf32, #tpu.memory_space<vmem>>) dst(%dma_wait3A_32 : memref<128x128xf32, #tpu.memory_space<vmem_shared>>)
      tpu.yield
    }) : () -> ()
    %add3A_10 = arith.constant 128 : i32
    %add3A_11 = arith.addi %mul3A_7, %add3A_10 : i32
    "tpu.region"() ({
      %run_scoped3A = tpu.sem_alloc : memref<!tpu.dma_semaphore, #tpu.memory_space<semaphore_mem>>
      %dma_start3A = arith.constant 0 : i32
      %dma_start3A_27 = tpu.memref_slice %arg11[%add3A_11, %dma_start3A] : memref<10112x128xf32, #tpu.memory_space<vmem_shared>> -> memref<128x128xf32, #tpu.memory_space<vmem_shared>>
      %dma_start3A_28 = arith.constant 0 : i32
      %dma_start3A_29 = tpu.memref_slice %arg11[%add3A_11, %dma_start3A_28] : memref<10112x128xf32, #tpu.memory_space<vmem_shared>> -> memref<128x128xf32, #tpu.memory_space<vmem_shared>>
      tpu.enqueue_dma source(%arg10 : memref<128x128xf32, #tpu.memory_space<vmem>>) target(%dma_start3A_29 : memref<128x128xf32, #tpu.memory_space<vmem_shared>>) target_semaphore(%run_scoped3A : memref<!tpu.dma_semaphore, #tpu.memory_space<semaphore_mem>>)
      %dma_wait3A = arith.constant 0 : i32
      %dma_wait3A_30 = tpu.memref_slice %arg11[%add3A_11, %dma_wait3A] : memref<10112x128xf32, #tpu.memory_space<vmem_shared>> -> memref<128x128xf32, #tpu.memory_space<vmem_shared>>
      %dma_wait3A_31 = arith.constant 0 : i32
      %dma_wait3A_32 = tpu.memref_slice %arg11[%add3A_11, %dma_wait3A_31] : memref<10112x128xf32, #tpu.memory_space<vmem_shared>> -> memref<128x128xf32, #tpu.memory_space<vmem_shared>>
      tpu.wait_dma2 semaphore(%run_scoped3A : memref<!tpu.dma_semaphore, #tpu.memory_space<semaphore_mem>>) src(%arg10 : memref<128x128xf32, #tpu.memory_space<vmem>>) dst(%dma_wait3A_32 : memref<128x128xf32, #tpu.memory_space<vmem_shared>>)
      tpu.yield
    }) : () -> ()
    %add3A_12 = arith.constant 256 : i32
    %add3A_13 = arith.addi %mul3A_7, %add3A_12 : i32
    "tpu.region"() ({
      %run_scoped3A = tpu.sem_alloc : memref<!tpu.dma_semaphore, #tpu.memory_space<semaphore_mem>>
      %dma_start3A = arith.constant 0 : i32
      %dma_start3A_27 = tpu.memref_slice %arg11[%add3A_13, %dma_start3A] : memref<10112x128xf32, #tpu.memory_space<vmem_shared>> -> memref<128x128xf32, #tpu.memory_space<vmem_shared>>
      %dma_start3A_28 = arith.constant 0 : i32
      %dma_start3A_29 = tpu.memref_slice %arg11[%add3A_13, %dma_start3A_28] : memref<10112x128xf32, #tpu.memory_space<vmem_shared>> -> memref<128x128xf32, #tpu.memory_space<vmem_shared>>
      tpu.enqueue_dma source(%arg10 : memref<128x128xf32, #tpu.memory_space<vmem>>) target(%dma_start3A_29 : memref<128x128xf32, #tpu.memory_space<vmem_shared>>) target_semaphore(%run_scoped3A : memref<!tpu.dma_semaphore, #tpu.memory_space<semaphore_mem>>)
      %dma_wait3A = arith.constant 0 : i32
      %dma_wait3A_30 = tpu.memref_slice %arg11[%add3A_13, %dma_wait3A] : memref<10112x128xf32, #tpu.memory_space<vmem_shared>> -> memref<128x128xf32, #tpu.memory_space<vmem_shared>>
      %dma_wait3A_31 = arith.constant 0 : i32
      %dma_wait3A_32 = tpu.memref_slice %arg11[%add3A_13, %dma_wait3A_31] : memref<10112x128xf32, #tpu.memory_space<vmem_shared>> -> memref<128x128xf32, #tpu.memory_space<vmem_shared>>
      tpu.wait_dma2 semaphore(%run_scoped3A : memref<!tpu.dma_semaphore, #tpu.memory_space<semaphore_mem>>) src(%arg10 : memref<128x128xf32, #tpu.memory_space<vmem>>) dst(%dma_wait3A_32 : memref<128x128xf32, #tpu.memory_space<vmem_shared>>)
      tpu.yield
    }) : () -> ()
    %add3A_14 = arith.constant 384 : i32
    %add3A_15 = arith.addi %mul3A_7, %add3A_14 : i32
    "tpu.region"() ({
      %run_scoped3A = tpu.sem_alloc : memref<!tpu.dma_semaphore, #tpu.memory_space<semaphore_mem>>
      %dma_start3A = arith.constant 0 : i32
      %dma_start3A_27 = tpu.memref_slice %arg11[%add3A_15, %dma_start3A] : memref<10112x128xf32, #tpu.memory_space<vmem_shared>> -> memref<128x128xf32, #tpu.memory_space<vmem_shared>>
      %dma_start3A_28 = arith.constant 0 : i32
      %dma_start3A_29 = tpu.memref_slice %arg11[%add3A_15, %dma_start3A_28] : memref<10112x128xf32, #tpu.memory_space<vmem_shared>> -> memref<128x128xf32, #tpu.memory_space<vmem_shared>>
      tpu.enqueue_dma source(%arg10 : memref<128x128xf32, #tpu.memory_space<vmem>>) target(%dma_start3A_29 : memref<128x128xf32, #tpu.memory_space<vmem_shared>>) target_semaphore(%run_scoped3A : memref<!tpu.dma_semaphore, #tpu.memory_space<semaphore_mem>>)
      %dma_wait3A = arith.constant 0 : i32
      %dma_wait3A_30 = tpu.memref_slice %arg11[%add3A_15, %dma_wait3A] : memref<10112x128xf32, #tpu.memory_space<vmem_shared>> -> memref<128x128xf32, #tpu.memory_space<vmem_shared>>
      %dma_wait3A_31 = arith.constant 0 : i32
      %dma_wait3A_32 = tpu.memref_slice %arg11[%add3A_15, %dma_wait3A_31] : memref<10112x128xf32, #tpu.memory_space<vmem_shared>> -> memref<128x128xf32, #tpu.memory_space<vmem_shared>>
      tpu.wait_dma2 semaphore(%run_scoped3A : memref<!tpu.dma_semaphore, #tpu.memory_space<semaphore_mem>>) src(%arg10 : memref<128x128xf32, #tpu.memory_space<vmem>>) dst(%dma_wait3A_32 : memref<128x128xf32, #tpu.memory_space<vmem_shared>>)
      tpu.yield
    }) : () -> ()
    %add3A_16 = arith.constant 512 : i32
    %add3A_17 = arith.addi %mul3A_7, %add3A_16 : i32
    "tpu.region"() ({
      %run_scoped3A = tpu.sem_alloc : memref<!tpu.dma_semaphore, #tpu.memory_space<semaphore_mem>>
      %dma_start3A = arith.constant 0 : i32
      %dma_start3A_27 = arith.constant 0 : i32
      %dma_start3A_28 = tpu.memref_slice %arg10[%dma_start3A, %dma_start3A_27] : memref<128x128xf32, #tpu.memory_space<vmem>> -> memref<120x128xf32, #tpu.memory_space<vmem>>
      %dma_start3A_29 = arith.constant 0 : i32
      %dma_start3A_30 = tpu.memref_slice %arg11[%add3A_17, %dma_start3A_29] : memref<10112x128xf32, #tpu.memory_space<vmem_shared>> -> memref<120x128xf32, #tpu.memory_space<vmem_shared>>
      %dma_start3A_31 = arith.constant 0 : i32
      %dma_start3A_32 = tpu.memref_slice %arg11[%add3A_17, %dma_start3A_31] : memref<10112x128xf32, #tpu.memory_space<vmem_shared>> -> memref<120x128xf32, #tpu.memory_space<vmem_shared>>
      %dma_start3A_33 = arith.constant 0 : i32
      %dma_start3A_34 = arith.constant 0 : i32
      %dma_start3A_35 = tpu.memref_slice %arg10[%dma_start3A_33, %dma_start3A_34] : memref<128x128xf32, #tpu.memory_space<vmem>> -> memref<120x128xf32, #tpu.memory_space<vmem>>
      tpu.enqueue_dma source(%dma_start3A_35 : memref<120x128xf32, #tpu.memory_space<vmem>>) target(%dma_start3A_32 : memref<120x128xf32, #tpu.memory_space<vmem_shared>>) target_semaphore(%run_scoped3A : memref<!tpu.dma_semaphore, #tpu.memory_space<semaphore_mem>>)
      %dma_wait3A = arith.constant 0 : i32
      %dma_wait3A_36 = arith.constant 0 : i32
      %dma_wait3A_37 = tpu.memref_slice %arg10[%dma_wait3A, %dma_wait3A_36] : memref<128x128xf32, #tpu.memory_space<vmem>> -> memref<120x128xf32, #tpu.memory_space<vmem>>
      %dma_wait3A_38 = arith.constant 0 : i32
      %dma_wait3A_39 = tpu.memref_slice %arg11[%add3A_17, %dma_wait3A_38] : memref<10112x128xf32, #tpu.memory_space<vmem_shared>> -> memref<120x128xf32, #tpu.memory_space<vmem_shared>>
      %dma_wait3A_40 = arith.constant 0 : i32
      %dma_wait3A_41 = tpu.memref_slice %arg11[%add3A_17, %dma_wait3A_40] : memref<10112x128xf32, #tpu.memory_space<vmem_shared>> -> memref<120x128xf32, #tpu.memory_space<vmem_shared>>
      %dma_wait3A_42 = arith.constant 0 : i32
      %dma_wait3A_43 = arith.constant 0 : i32
      %dma_wait3A_44 = tpu.memref_slice %arg10[%dma_wait3A_42, %dma_wait3A_43] : memref<128x128xf32, #tpu.memory_space<vmem>> -> memref<120x128xf32, #tpu.memory_space<vmem>>
      tpu.wait_dma2 semaphore(%run_scoped3A : memref<!tpu.dma_semaphore, #tpu.memory_space<semaphore_mem>>) src(%dma_wait3A_44 : memref<120x128xf32, #tpu.memory_space<vmem>>) dst(%dma_wait3A_41 : memref<120x128xf32, #tpu.memory_space<vmem_shared>>)
      tpu.yield
    }) : () -> ()
    %barrier3A = arith.constant 0 : index
    tpu.barrier barrier_id(%barrier3A)
    %mul3A_18 = arith.constant 10112 : i32
    %mul3A_19 = arith.muli %add3A, %mul3A_18 : i32
    %scan3A_20 = arith.constant 0 : i32
    %scan3A_21 = arith.constant 0 : i32
    %scan3A_22 = arith.constant 79 : i32
    %scan3A_23 = arith.addi %scan3A_21, %scan3A_22 : i32
    %scan3A_24 = arith.constant 1 : i32
    scf.for %scan3A_27 = %scan3A_21 to %scan3A_23 step %scan3A_24  : i32 {
      %mul3A_28 = arith.constant 128 : i32
      %mul3A_29 = arith.muli %scan3A_27, %mul3A_28 : i32
      %add3A_30 = arith.addi %mul3A_19, %mul3A_29 : i32
      "tpu.region"() ({
        %run_scoped3A = tpu.sem_alloc : memref<!tpu.dma_semaphore, #tpu.memory_space<semaphore_mem>>
        %dma_start3A_41 = tpu.memref_slice %arg3[%add3A_30] : memref<323584xi32, #tpu.memory_space<hbm>> -> memref<128xi32, #tpu.memory_space<hbm>>
        %dma_start3A_42 = tpu.memref_slice %arg3[%add3A_30] : memref<323584xi32, #tpu.memory_space<hbm>> -> memref<128xi32, #tpu.memory_space<hbm>>
        tpu.enqueue_dma source(%dma_start3A_42 : memref<128xi32, #tpu.memory_space<hbm>>) target(%arg7 : memref<128xi32, #tpu.memory_space<vmem>>) target_semaphore(%run_scoped3A : memref<!tpu.dma_semaphore, #tpu.memory_space<semaphore_mem>>)
        %dma_wait3A_43 = tpu.memref_slice %arg3[%add3A_30] : memref<323584xi32, #tpu.memory_space<hbm>> -> memref<128xi32, #tpu.memory_space<hbm>>
        %dma_wait3A_44 = tpu.memref_slice %arg3[%add3A_30] : memref<323584xi32, #tpu.memory_space<hbm>> -> memref<128xi32, #tpu.memory_space<hbm>>
        tpu.wait_dma2 semaphore(%run_scoped3A : memref<!tpu.dma_semaphore, #tpu.memory_space<semaphore_mem>>) src(%dma_wait3A_44 : memref<128xi32, #tpu.memory_space<hbm>>) dst(%arg7 : memref<128xi32, #tpu.memory_space<vmem>>)
        tpu.yield
      }) : () -> ()
      "tpu.region"() ({
        %run_scoped3A = tpu.sem_alloc : memref<!tpu.dma_semaphore, #tpu.memory_space<semaphore_mem>>
        %dma_start3A_41 = tpu.memref_slice %arg4[%add3A_30] : memref<323584xi32, #tpu.memory_space<hbm>> -> memref<128xi32, #tpu.memory_space<hbm>>
        %dma_start3A_42 = tpu.memref_slice %arg4[%add3A_30] : memref<323584xi32, #tpu.memory_space<hbm>> -> memref<128xi32, #tpu.memory_space<hbm>>
        tpu.enqueue_dma source(%dma_start3A_42 : memref<128xi32, #tpu.memory_space<hbm>>) target(%arg8 : memref<128xi32, #tpu.memory_space<vmem>>) target_semaphore(%run_scoped3A : memref<!tpu.dma_semaphore, #tpu.memory_space<semaphore_mem>>)
        %dma_wait3A_43 = tpu.memref_slice %arg4[%add3A_30] : memref<323584xi32, #tpu.memory_space<hbm>> -> memref<128xi32, #tpu.memory_space<hbm>>
        %dma_wait3A_44 = tpu.memref_slice %arg4[%add3A_30] : memref<323584xi32, #tpu.memory_space<hbm>> -> memref<128xi32, #tpu.memory_space<hbm>>
        tpu.wait_dma2 semaphore(%run_scoped3A : memref<!tpu.dma_semaphore, #tpu.memory_space<semaphore_mem>>) src(%dma_wait3A_44 : memref<128xi32, #tpu.memory_space<hbm>>) dst(%arg8 : memref<128xi32, #tpu.memory_space<vmem>>)
        tpu.yield
      }) : () -> ()
      "tpu.region"() ({
        %run_scoped3A = tpu.sem_alloc : memref<!tpu.dma_semaphore, #tpu.memory_space<semaphore_mem>>
        %dma_start3A_41 = tpu.memref_slice %arg5[%add3A_30] : memref<323584xf32, #tpu.memory_space<hbm>> -> memref<128xf32, #tpu.memory_space<hbm>>
        %dma_start3A_42 = tpu.memref_slice %arg5[%add3A_30] : memref<323584xf32, #tpu.memory_space<hbm>> -> memref<128xf32, #tpu.memory_space<hbm>>
        tpu.enqueue_dma source(%dma_start3A_42 : memref<128xf32, #tpu.memory_space<hbm>>) target(%arg9 : memref<128xf32, #tpu.memory_space<vmem>>) target_semaphore(%run_scoped3A : memref<!tpu.dma_semaphore, #tpu.memory_space<semaphore_mem>>)
        %dma_wait3A_43 = tpu.memref_slice %arg5[%add3A_30] : memref<323584xf32, #tpu.memory_space<hbm>> -> memref<128xf32, #tpu.memory_space<hbm>>
        %dma_wait3A_44 = tpu.memref_slice %arg5[%add3A_30] : memref<323584xf32, #tpu.memory_space<hbm>> -> memref<128xf32, #tpu.memory_space<hbm>>
        tpu.wait_dma2 semaphore(%run_scoped3A : memref<!tpu.dma_semaphore, #tpu.memory_space<semaphore_mem>>) src(%dma_wait3A_44 : memref<128xf32, #tpu.memory_space<hbm>>) dst(%arg9 : memref<128xf32, #tpu.memory_space<vmem>>)
        tpu.yield
      }) : () -> ()
      %dma_start3A = arith.constant 0 : i32
      %dma_start3A_31 = arith.constant 0 : i32
      %dma_start3A_32 = tpu.memref_slice %arg2[%dma_start3A, %dma_start3A_31] : memref<10000x128xf32, #tpu.memory_space<hbm>> -> memref<10000x128xf32, #tpu.memory_space<hbm>>
      tpu.enqueue_indirect_dma source(%dma_start3A_32 : memref<10000x128xf32, #tpu.memory_space<hbm>>) target(%arg10 : memref<128x128xf32, #tpu.memory_space<vmem>>) offsets(%arg7 : memref<128xi32, #tpu.memory_space<vmem>>) semaphore(%arg12 : memref<!tpu.dma_semaphore, #tpu.memory_space<semaphore_mem>>)
      %dma_wait3A = arith.constant 0 : i32
      %dma_wait3A_33 = arith.constant 0 : i32
      %dma_wait3A_34 = tpu.memref_slice %arg2[%dma_wait3A, %dma_wait3A_33] : memref<10000x128xf32, #tpu.memory_space<hbm>> -> memref<10000x128xf32, #tpu.memory_space<hbm>>
      tpu.wait_indirect_dma semaphore(%arg12 : memref<!tpu.dma_semaphore, #tpu.memory_space<semaphore_mem>>) src(%dma_wait3A_34 : memref<10000x128xf32, #tpu.memory_space<hbm>>) dst(%arg10 : memref<128x128xf32, #tpu.memory_space<vmem>>)
      %scan3A_35 = arith.constant 0 : i32
      %scan3A_36 = arith.constant 0 : i32
      %scan3A_37 = arith.constant 128 : i32
      %scan3A_38 = arith.addi %scan3A_36, %scan3A_37 : i32
      %scan3A_39 = arith.constant 1 : i32
      scf.for %scan3A_41 = %scan3A_36 to %scan3A_38 step %scan3A_39  : i32 {
        %broadcast_in_dim3A = vector.broadcast %scan3A_41 : i32 to vector<16xi32>
        %gather3A = tpu.vector_load_idx %arg9[%broadcast_in_dim3A] : memref<128xf32, #tpu.memory_space<vmem>>[vector<16xi32>], vector<16xf32>,
        %get3A = arith.index_cast %scan3A_41 : i32 to index
        %get3A_42 = arith.constant 0 : index
        %get3A_43 = tpu.vector_load %arg10[%get3A, %get3A_42] {strides = array<i32>} : memref<128x128xf32, #tpu.memory_space<vmem>>, vector<16xf32>,
        %mul3A_44 = arith.mulf %get3A_43, %gather3A : vector<16xf32>
        %swap3A = arith.index_cast %scan3A_41 : i32 to index
        %swap3A_45 = arith.constant 0 : index
        %swap3A_46 = tpu.vector_load %arg10[%swap3A, %swap3A_45] {strides = array<i32>} : memref<128x128xf32, #tpu.memory_space<vmem>>, vector<16xf32>,
        tpu.vector_store %arg10[%swap3A, %swap3A_45], %mul3A_44 {strides = array<i32>} : memref<128x128xf32, #tpu.memory_space<vmem>>, vector<16xf32>,
        %get3A_47 = arith.index_cast %scan3A_41 : i32 to index
        %get3A_48 = arith.constant 16 : index
        %get3A_49 = tpu.vector_load %arg10[%get3A_47, %get3A_48] {strides = array<i32>} : memref<128x128xf32, #tpu.memory_space<vmem>>, vector<16xf32>,
        %mul3A_50 = arith.mulf %get3A_49, %gather3A : vector<16xf32>
        %swap3A_51 = arith.index_cast %scan3A_41 : i32 to index
        %swap3A_52 = arith.constant 16 : index
        %swap3A_53 = tpu.vector_load %arg10[%swap3A_51, %swap3A_52] {strides = array<i32>} : memref<128x128xf32, #tpu.memory_space<vmem>>, vector<16xf32>,
        tpu.vector_store %arg10[%swap3A_51, %swap3A_52], %mul3A_50 {strides = array<i32>} : memref<128x128xf32, #tpu.memory_space<vmem>>, vector<16xf32>,
        %get3A_54 = arith.index_cast %scan3A_41 : i32 to index
        %get3A_55 = arith.constant 32 : index
        %get3A_56 = tpu.vector_load %arg10[%get3A_54, %get3A_55] {strides = array<i32>} : memref<128x128xf32, #tpu.memory_space<vmem>>, vector<16xf32>,
        %mul3A_57 = arith.mulf %get3A_56, %gather3A : vector<16xf32>
        %swap3A_58 = arith.index_cast %scan3A_41 : i32 to index
        %swap3A_59 = arith.constant 32 : index
        %swap3A_60 = tpu.vector_load %arg10[%swap3A_58, %swap3A_59] {strides = array<i32>} : memref<128x128xf32, #tpu.memory_space<vmem>>, vector<16xf32>,
        tpu.vector_store %arg10[%swap3A_58, %swap3A_59], %mul3A_57 {strides = array<i32>} : memref<128x128xf32, #tpu.memory_space<vmem>>, vector<16xf32>,
        %get3A_61 = arith.index_cast %scan3A_41 : i32 to index
        %get3A_62 = arith.constant 48 : index
        %get3A_63 = tpu.vector_load %arg10[%get3A_61, %get3A_62] {strides = array<i32>} : memref<128x128xf32, #tpu.memory_space<vmem>>, vector<16xf32>,
        %mul3A_64 = arith.mulf %get3A_63, %gather3A : vector<16xf32>
        %swap3A_65 = arith.index_cast %scan3A_41 : i32 to index
        %swap3A_66 = arith.constant 48 : index
        %swap3A_67 = tpu.vector_load %arg10[%swap3A_65, %swap3A_66] {strides = array<i32>} : memref<128x128xf32, #tpu.memory_space<vmem>>, vector<16xf32>,
        tpu.vector_store %arg10[%swap3A_65, %swap3A_66], %mul3A_64 {strides = array<i32>} : memref<128x128xf32, #tpu.memory_space<vmem>>, vector<16xf32>,
        %get3A_68 = arith.index_cast %scan3A_41 : i32 to index
        %get3A_69 = arith.constant 64 : index
        %get3A_70 = tpu.vector_load %arg10[%get3A_68, %get3A_69] {strides = array<i32>} : memref<128x128xf32, #tpu.memory_space<vmem>>, vector<16xf32>,
        %mul3A_71 = arith.mulf %get3A_70, %gather3A : vector<16xf32>
        %swap3A_72 = arith.index_cast %scan3A_41 : i32 to index
        %swap3A_73 = arith.constant 64 : index
        %swap3A_74 = tpu.vector_load %arg10[%swap3A_72, %swap3A_73] {strides = array<i32>} : memref<128x128xf32, #tpu.memory_space<vmem>>, vector<16xf32>,
        tpu.vector_store %arg10[%swap3A_72, %swap3A_73], %mul3A_71 {strides = array<i32>} : memref<128x128xf32, #tpu.memory_space<vmem>>, vector<16xf32>,
        %get3A_75 = arith.index_cast %scan3A_41 : i32 to index
        %get3A_76 = arith.constant 80 : index
        %get3A_77 = tpu.vector_load %arg10[%get3A_75, %get3A_76] {strides = array<i32>} : memref<128x128xf32, #tpu.memory_space<vmem>>, vector<16xf32>,
        %mul3A_78 = arith.mulf %get3A_77, %gather3A : vector<16xf32>
        %swap3A_79 = arith.index_cast %scan3A_41 : i32 to index
        %swap3A_80 = arith.constant 80 : index
        %swap3A_81 = tpu.vector_load %arg10[%swap3A_79, %swap3A_80] {strides = array<i32>} : memref<128x128xf32, #tpu.memory_space<vmem>>, vector<16xf32>,
        tpu.vector_store %arg10[%swap3A_79, %swap3A_80], %mul3A_78 {strides = array<i32>} : memref<128x128xf32, #tpu.memory_space<vmem>>, vector<16xf32>,
        %get3A_82 = arith.index_cast %scan3A_41 : i32 to index
        %get3A_83 = arith.constant 96 : index
        %get3A_84 = tpu.vector_load %arg10[%get3A_82, %get3A_83] {strides = array<i32>} : memref<128x128xf32, #tpu.memory_space<vmem>>, vector<16xf32>,
        %mul3A_85 = arith.mulf %get3A_84, %gather3A : vector<16xf32>
        %swap3A_86 = arith.index_cast %scan3A_41 : i32 to index
        %swap3A_87 = arith.constant 96 : index
        %swap3A_88 = tpu.vector_load %arg10[%swap3A_86, %swap3A_87] {strides = array<i32>} : memref<128x128xf32, #tpu.memory_space<vmem>>, vector<16xf32>,
        tpu.vector_store %arg10[%swap3A_86, %swap3A_87], %mul3A_85 {strides = array<i32>} : memref<128x128xf32, #tpu.memory_space<vmem>>, vector<16xf32>,
        %get3A_89 = arith.index_cast %scan3A_41 : i32 to index
        %get3A_90 = arith.constant 112 : index
        %get3A_91 = tpu.vector_load %arg10[%get3A_89, %get3A_90] {strides = array<i32>} : memref<128x128xf32, #tpu.memory_space<vmem>>, vector<16xf32>,
        %mul3A_92 = arith.mulf %get3A_91, %gather3A : vector<16xf32>
        %swap3A_93 = arith.index_cast %scan3A_41 : i32 to index
        %swap3A_94 = arith.constant 112 : index
        %swap3A_95 = tpu.vector_load %arg10[%swap3A_93, %swap3A_94] {strides = array<i32>} : memref<128x128xf32, #tpu.memory_space<vmem>>, vector<16xf32>,
        tpu.vector_store %arg10[%swap3A_93, %swap3A_94], %mul3A_92 {strides = array<i32>} : memref<128x128xf32, #tpu.memory_space<vmem>>, vector<16xf32>,
      }
      %scan3A_40 = arith.constant 128 : i32
      "tpu.region"() ({
        %run_scoped3A = tpu.sem_alloc : memref<!tpu.dma_semaphore, #tpu.memory_space<semaphore_mem>>
        %dma_start3A_41 = arith.constant 0 : i32
        %dma_start3A_42 = arith.constant 0 : i32
        %dma_start3A_43 = tpu.memref_slice %arg11[%dma_start3A_41, %dma_start3A_42] : memref<10112x128xf32, #tpu.memory_space<vmem_shared>> -> memref<10112x128xf32, #tpu.memory_space<vmem_shared>>
        tpu.enqueue_indirect_dma source(%arg10 : memref<128x128xf32, #tpu.memory_space<vmem>>) target(%dma_start3A_43 : memref<10112x128xf32, #tpu.memory_space<vmem_shared>>) offsets(%arg8 : memref<128xi32, #tpu.memory_space<vmem>>) semaphore(%run_scoped3A : memref<!tpu.dma_semaphore, #tpu.memory_space<semaphore_mem>>) {add = true}
        %dma_wait3A_44 = arith.constant 0 : i32
        %dma_wait3A_45 = arith.constant 0 : i32
        %dma_wait3A_46 = tpu.memref_slice %arg11[%dma_wait3A_44, %dma_wait3A_45] : memref<10112x128xf32, #tpu.memory_space<vmem_shared>> -> memref<10112x128xf32, #tpu.memory_space<vmem_shared>>
        tpu.wait_indirect_dma semaphore(%run_scoped3A : memref<!tpu.dma_semaphore, #tpu.memory_space<semaphore_mem>>) src(%arg10 : memref<128x128xf32, #tpu.memory_space<vmem>>) dst(%dma_wait3A_46 : memref<10112x128xf32, #tpu.memory_space<vmem_shared>>)
        tpu.yield
      }) : () -> ()
    }
    %scan3A_25 = arith.constant 79 : i32
    %barrier3A_26 = arith.constant 0 : index
    tpu.barrier barrier_id(%barrier3A_26)
    "tpu.region"() ({
      %run_scoped3A = tpu.sem_alloc : memref<!tpu.dma_semaphore, #tpu.memory_space<semaphore_mem>>
      %dma_start3A = arith.constant 0 : i32
      %dma_start3A_27 = tpu.memref_slice %arg6[%arg0, %mul3A_7, %dma_start3A] : memref<2x10112x128xf32, #tpu.memory_space<hbm>> -> memref<1x632x128xf32, #tpu.memory_space<hbm>>
      %dma_start3A_28 = tpu.memref_squeeze %dma_start3A_27 : memref<1x632x128xf32, #tpu.memory_space<hbm>> -> memref<632x128xf32, #tpu.memory_space<hbm>>
      %dma_start3A_29 = arith.constant 0 : i32
      %dma_start3A_30 = tpu.memref_slice %arg11[%mul3A_7, %dma_start3A_29] : memref<10112x128xf32, #tpu.memory_space<vmem_shared>> -> memref<632x128xf32, #tpu.memory_space<vmem_shared>>
      tpu.enqueue_dma source(%dma_start3A_30 : memref<632x128xf32, #tpu.memory_space<vmem_shared>>) target(%dma_start3A_28 : memref<632x128xf32, #tpu.memory_space<hbm>>) target_semaphore(%run_scoped3A : memref<!tpu.dma_semaphore, #tpu.memory_space<semaphore_mem>>)
      %dma_wait3A = arith.constant 0 : i32
      %dma_wait3A_31 = tpu.memref_slice %arg6[%arg0, %mul3A_7, %dma_wait3A] : memref<2x10112x128xf32, #tpu.memory_space<hbm>> -> memref<1x632x128xf32, #tpu.memory_space<hbm>>
      %dma_wait3A_32 = tpu.memref_squeeze %dma_wait3A_31 : memref<1x632x128xf32, #tpu.memory_space<hbm>> -> memref<632x128xf32, #tpu.memory_space<hbm>>
      %dma_wait3A_33 = arith.constant 0 : i32
      %dma_wait3A_34 = tpu.memref_slice %arg11[%mul3A_7, %dma_wait3A_33] : memref<10112x128xf32, #tpu.memory_space<vmem_shared>> -> memref<632x128xf32, #tpu.memory_space<vmem_shared>>
      tpu.wait_dma2 semaphore(%run_scoped3A : memref<!tpu.dma_semaphore, #tpu.memory_space<semaphore_mem>>) src(%dma_wait3A_34 : memref<632x128xf32, #tpu.memory_space<vmem_shared>>) dst(%dma_wait3A_32 : memref<632x128xf32, #tpu.memory_space<hbm>>)
      tpu.yield
    }) : () -> ()
    return
  }
}

module attributes {stable_mosaic.version = 14 : i64} {
  func.func @_tc1_body(%arg0: i32, %arg1: memref<1000x128xf32, #tpu.memory_space<vmem>>, %arg2: memref<128x128xf32, #tpu.memory_space<vmem>>, %arg3: memref<2x1000x128xf32, #tpu.memory_space<vmem>>, %arg4: memref<1000x128xf32, #tpu.memory_space<vmem>>, %arg5: memref<1000x1xf32, #tpu.memory_space<vmem>>) attributes {dimension_semantics = [#tpu.dimension_semantics<arbitrary>], iteration_bounds = array<i64: 10>, scalar_prefetch = 0 : i64, scratch_operands = 0 : i64, tpu.core_type = #tpu.core_type<tc>, window_params = [{transform_indices = @transform_0, window_bounds = array<i64: 1000, 128>}, {pipeline_mode = #tpu.pipeline_mode<synchronous>, transform_indices = @transform_1, window_bounds = array<i64: 128, 128>}, {transform_indices = @transform_2, window_bounds = array<i64: 2, 1000, 128>}, {transform_indices = @transform_3, window_bounds = array<i64: 1000, 128>}, {transform_indices = @transform_4, window_bounds = array<i64: 1000, 1>}]} {
    %get3A = arith.constant 0 : index
    %get3A_0 = arith.constant 0 : index
    %get3A_1 = arith.constant 0 : index
    %get3A_2 = vector.load %arg3[%get3A, %get3A_0, %get3A_1] : memref<2x1000x128xf32, #tpu.memory_space<vmem>>, vector<1x1000x1xf32>
    %get3A_3 = vector.shape_cast %get3A_2 : vector<1x1000x1xf32> to vector<1000x1xf32>
    %get3A_4 = arith.constant 1 : index
    %get3A_5 = arith.constant 0 : index
    %get3A_6 = arith.constant 0 : index
    %get3A_7 = vector.load %arg3[%get3A_4, %get3A_5, %get3A_6] : memref<2x1000x128xf32, #tpu.memory_space<vmem>>, vector<1x1000x1xf32>
    %get3A_8 = vector.shape_cast %get3A_7 : vector<1x1000x1xf32> to vector<1000x1xf32>
    %add3A = arith.addf %get3A_3, %get3A_8 : vector<1000x1xf32>
    %gt3A = arith.constant 0.000000e+00 : f32
    %gt3A_9 = vector.broadcast %gt3A : f32 to vector<1000x1xf32>
    %gt3A_10 = arith.cmpf ogt, %add3A, %gt3A_9 : vector<1000x1xf32>
    %max3A = arith.constant 9.99999996E-13 : f32
    %max3A_11 = vector.broadcast %max3A : f32 to vector<1000x1xf32>
    %max3A_12 = arith.maximumf %add3A, %max3A_11 : vector<1000x1xf32>
    %rsqrt3A = math.rsqrt %max3A_12 : vector<1000x1xf32>
    %jit3A = arith.constant 0.000000e+00 : f32
    %broadcast_in_dim3A = vector.broadcast %jit3A : f32 to vector<1000x1xf32>
    %select_n3A = arith.select %gt3A_10, %rsqrt3A, %broadcast_in_dim3A : vector<1000x1xi1>, vector<1000x1xf32>
    %get3A_13 = arith.constant 0 : index
    %get3A_14 = arith.constant 0 : index
    %get3A_15 = vector.load %arg1[%get3A_13, %get3A_14] : memref<1000x128xf32, #tpu.memory_space<vmem>>, vector<1000x128xf32>
    %get3A_16 = arith.constant 0 : index
    %get3A_17 = arith.constant 0 : index
    %get3A_18 = vector.load %arg2[%get3A_16, %get3A_17] : memref<128x128xf32, #tpu.memory_space<vmem>>, vector<128x128xf32>
    %dot_general3A = arith.constant dense<0.000000e+00> : vector<1000x128xf32>
    %dot_general3A_19 = tpu.matmul %get3A_15, %get3A_18, %dot_general3A {dimension_numbers = #tpu.dot_dimension_numbers<[1], [0], [0], [1], [0, 0, 1, 1], [], []>, transpose_lhs_hint = false} : vector<1000x128xf32>, vector<128x128xf32>, vector<1000x128xf32> -> vector<1000x128xf32>
    %mul3A = vector.broadcast %select_n3A : vector<1000x1xf32> to vector<1000x128xf32>
    %mul3A_20 = arith.mulf %dot_general3A_19, %mul3A : vector<1000x128xf32>
    %swap3A = arith.constant 0 : index
    %swap3A_21 = arith.constant 0 : index
    %swap3A_22 = vector.load %arg4[%swap3A, %swap3A_21] : memref<1000x128xf32, #tpu.memory_space<vmem>>, vector<1000x128xf32>
    tpu.vector_store %arg4[%swap3A, %swap3A_21], %mul3A_20 {strides = array<i32>} : memref<1000x128xf32, #tpu.memory_space<vmem>>, vector<1000x128xf32>,
    %swap3A_23 = arith.constant 0 : index
    %swap3A_24 = arith.constant 0 : index
    %swap3A_25 = vector.load %arg5[%swap3A_23, %swap3A_24] : memref<1000x1xf32, #tpu.memory_space<vmem>>, vector<1000x1xf32>
    tpu.vector_store %arg5[%swap3A_23, %swap3A_24], %select_n3A {strides = array<i32>} : memref<1000x1xf32, #tpu.memory_space<vmem>>, vector<1000x1xf32>,
    return
  }
  func.func @transform_0(%arg0: i32) -> (i32, i32) {
    %c0_i32 = arith.constant 0 : i32
    %c0_i32_0 = arith.constant 0 : i32
    return %arg0, %c0_i32 : i32, i32
  }
  func.func @transform_1(%arg0: i32) -> (i32, i32) {
    %c0_i32 = arith.constant 0 : i32
    %c0_i32_0 = arith.constant 0 : i32
    %c0_i32_1 = arith.constant 0 : i32
    return %c0_i32, %c0_i32_0 : i32, i32
  }
  func.func @transform_2(%arg0: i32) -> (i32, i32, i32) {
    %c0_i32 = arith.constant 0 : i32
    %c0_i32_0 = arith.constant 0 : i32
    %c0_i32_1 = arith.constant 0 : i32
    return %c0_i32, %arg0, %c0_i32_0 : i32, i32, i32
  }
  func.func @transform_3(%arg0: i32) -> (i32, i32) {
    %c0_i32 = arith.constant 0 : i32
    %c0_i32_0 = arith.constant 0 : i32
    return %arg0, %c0_i32 : i32, i32
  }
  func.func @transform_4(%arg0: i32) -> (i32, i32) {
    %c0_i32 = arith.constant 0 : i32
    %c0_i32_0 = arith.constant 0 : i32
    return %arg0, %c0_i32 : i32, i32
  }
}

module attributes {stable_mosaic.version = 14 : i64} {
  func.func @_tc2_body(%arg0: i32, %arg1: memref<2x1000x128xf32, #tpu.memory_space<vmem>>, %arg2: memref<1000x1xf32, #tpu.memory_space<vmem>>, %arg3: memref<1x128xf32, #tpu.memory_space<vmem>>, %arg4: memref<1000x128xf32, #tpu.memory_space<vmem>>) attributes {dimension_semantics = [#tpu.dimension_semantics<arbitrary>], iteration_bounds = array<i64: 10>, scalar_prefetch = 0 : i64, scratch_operands = 0 : i64, tpu.core_type = #tpu.core_type<tc>, window_params = [{transform_indices = @transform_0, window_bounds = array<i64: 2, 1000, 128>}, {transform_indices = @transform_1, window_bounds = array<i64: 1000, 1>}, {pipeline_mode = #tpu.pipeline_mode<synchronous>, transform_indices = @transform_2, window_bounds = array<i64: 1, 128>}, {transform_indices = @transform_3, window_bounds = array<i64: 1000, 128>}]} {
    %get3A = arith.constant 0 : index
    %get3A_0 = arith.constant 0 : index
    %get3A_1 = arith.constant 0 : index
    %get3A_2 = vector.load %arg1[%get3A, %get3A_0, %get3A_1] : memref<2x1000x128xf32, #tpu.memory_space<vmem>>, vector<1x1000x128xf32>
    %get3A_3 = vector.shape_cast %get3A_2 : vector<1x1000x128xf32> to vector<1000x128xf32>
    %get3A_4 = arith.constant 1 : index
    %get3A_5 = arith.constant 0 : index
    %get3A_6 = arith.constant 0 : index
    %get3A_7 = vector.load %arg1[%get3A_4, %get3A_5, %get3A_6] : memref<2x1000x128xf32, #tpu.memory_space<vmem>>, vector<1x1000x128xf32>
    %get3A_8 = vector.shape_cast %get3A_7 : vector<1x1000x128xf32> to vector<1000x128xf32>
    %add3A = arith.addf %get3A_3, %get3A_8 : vector<1000x128xf32>
    %get3A_9 = arith.constant 0 : index
    %get3A_10 = arith.constant 0 : index
    %get3A_11 = vector.load %arg2[%get3A_9, %get3A_10] : memref<1000x1xf32, #tpu.memory_space<vmem>>, vector<1000x1xf32>
    %mul3A = vector.broadcast %get3A_11 : vector<1000x1xf32> to vector<1000x128xf32>
    %mul3A_12 = arith.mulf %add3A, %mul3A : vector<1000x128xf32>
    %get3A_13 = arith.constant 0 : index
    %get3A_14 = arith.constant 0 : index
    %get3A_15 = vector.load %arg3[%get3A_13, %get3A_14] : memref<1x128xf32, #tpu.memory_space<vmem>>, vector<1x128xf32>
    %add3A_16 = vector.broadcast %get3A_15 : vector<1x128xf32> to vector<1000x128xf32>
    %add3A_17 = arith.addf %mul3A_12, %add3A_16 : vector<1000x128xf32>
    %max3A = arith.constant 0.000000e+00 : f32
    %max3A_18 = vector.broadcast %max3A : f32 to vector<1000x128xf32>
    %max3A_19 = arith.maximumf %add3A_17, %max3A_18 : vector<1000x128xf32>
    %get3A_20 = arith.constant 0 : index
    %get3A_21 = arith.constant 0 : index
    %get3A_22 = vector.load %arg2[%get3A_20, %get3A_21] : memref<1000x1xf32, #tpu.memory_space<vmem>>, vector<1000x1xf32>
    %mul3A_23 = vector.broadcast %get3A_22 : vector<1000x1xf32> to vector<1000x128xf32>
    %mul3A_24 = arith.mulf %max3A_19, %mul3A_23 : vector<1000x128xf32>
    %swap3A = arith.constant 0 : index
    %swap3A_25 = arith.constant 0 : index
    %swap3A_26 = vector.load %arg4[%swap3A, %swap3A_25] : memref<1000x128xf32, #tpu.memory_space<vmem>>, vector<1000x128xf32>
    tpu.vector_store %arg4[%swap3A, %swap3A_25], %mul3A_24 {strides = array<i32>} : memref<1000x128xf32, #tpu.memory_space<vmem>>, vector<1000x128xf32>,
    return
  }
  func.func @transform_0(%arg0: i32) -> (i32, i32, i32) {
    %c0_i32 = arith.constant 0 : i32
    %c0_i32_0 = arith.constant 0 : i32
    %c0_i32_1 = arith.constant 0 : i32
    return %c0_i32, %arg0, %c0_i32_0 : i32, i32, i32
  }
  func.func @transform_1(%arg0: i32) -> (i32, i32) {
    %c0_i32 = arith.constant 0 : i32
    %c0_i32_0 = arith.constant 0 : i32
    return %arg0, %c0_i32 : i32, i32
  }
  func.func @transform_2(%arg0: i32) -> (i32, i32) {
    %c0_i32 = arith.constant 0 : i32
    %c0_i32_0 = arith.constant 0 : i32
    %c0_i32_1 = arith.constant 0 : i32
    return %c0_i32, %c0_i32_0 : i32, i32
  }
  func.func @transform_3(%arg0: i32) -> (i32, i32) {
    %c0_i32 = arith.constant 0 : i32
    %c0_i32_0 = arith.constant 0 : i32
    return %arg0, %c0_i32 : i32, i32
  }
}

module attributes {stable_mosaic.version = 14 : i64} {
  func.func @_tc3_body(%arg0: i32, %arg1: memref<2x1000x128xf32, #tpu.memory_space<vmem>>, %arg2: memref<1000x1xf32, #tpu.memory_space<vmem>>, %arg3: memref<1x64xf32, #tpu.memory_space<vmem>>, %arg4: memref<128x64xf32, #tpu.memory_space<vmem>>, %arg5: memref<1000x64xf32, #tpu.memory_space<vmem>>, %arg6: memref<1000x64xf32, #tpu.memory_space<vmem>>) attributes {dimension_semantics = [#tpu.dimension_semantics<arbitrary>], iteration_bounds = array<i64: 10>, scalar_prefetch = 0 : i64, scratch_operands = 0 : i64, tpu.core_type = #tpu.core_type<tc>, window_params = [{transform_indices = @transform_0, window_bounds = array<i64: 2, 1000, 128>}, {transform_indices = @transform_1, window_bounds = array<i64: 1000, 1>}, {pipeline_mode = #tpu.pipeline_mode<synchronous>, transform_indices = @transform_2, window_bounds = array<i64: 1, 64>}, {pipeline_mode = #tpu.pipeline_mode<synchronous>, transform_indices = @transform_3, window_bounds = array<i64: 128, 64>}, {transform_indices = @transform_4, window_bounds = array<i64: 1000, 64>}, {transform_indices = @transform_5, window_bounds = array<i64: 1000, 64>}]} {
    %get3A = arith.constant 0 : index
    %get3A_0 = arith.constant 0 : index
    %get3A_1 = arith.constant 0 : index
    %get3A_2 = vector.load %arg1[%get3A, %get3A_0, %get3A_1] : memref<2x1000x128xf32, #tpu.memory_space<vmem>>, vector<1x1000x128xf32>
    %get3A_3 = vector.shape_cast %get3A_2 : vector<1x1000x128xf32> to vector<1000x128xf32>
    %get3A_4 = arith.constant 1 : index
    %get3A_5 = arith.constant 0 : index
    %get3A_6 = arith.constant 0 : index
    %get3A_7 = vector.load %arg1[%get3A_4, %get3A_5, %get3A_6] : memref<2x1000x128xf32, #tpu.memory_space<vmem>>, vector<1x1000x128xf32>
    %get3A_8 = vector.shape_cast %get3A_7 : vector<1x1000x128xf32> to vector<1000x128xf32>
    %add3A = arith.addf %get3A_3, %get3A_8 : vector<1000x128xf32>
    %get3A_9 = arith.constant 0 : index
    %get3A_10 = arith.constant 0 : index
    %get3A_11 = vector.load %arg2[%get3A_9, %get3A_10] : memref<1000x1xf32, #tpu.memory_space<vmem>>, vector<1000x1xf32>
    %mul3A = vector.broadcast %get3A_11 : vector<1000x1xf32> to vector<1000x128xf32>
    %mul3A_12 = arith.mulf %add3A, %mul3A : vector<1000x128xf32>
    %get3A_13 = arith.constant 0 : index
    %get3A_14 = arith.constant 0 : index
    %get3A_15 = vector.load %arg4[%get3A_13, %get3A_14] : memref<128x64xf32, #tpu.memory_space<vmem>>, vector<128x64xf32>
    %dot_general3A = arith.constant dense<0.000000e+00> : vector<1000x64xf32>
    %dot_general3A_16 = tpu.matmul %mul3A_12, %get3A_15, %dot_general3A {dimension_numbers = #tpu.dot_dimension_numbers<[1], [0], [0], [1], [0, 0, 1, 1], [], []>, transpose_lhs_hint = false} : vector<1000x128xf32>, vector<128x64xf32>, vector<1000x64xf32> -> vector<1000x64xf32>
    %get3A_17 = arith.constant 0 : index
    %get3A_18 = arith.constant 0 : index
    %get3A_19 = vector.load %arg3[%get3A_17, %get3A_18] : memref<1x64xf32, #tpu.memory_space<vmem>>, vector<1x64xf32>
    %add3A_20 = vector.broadcast %get3A_19 : vector<1x64xf32> to vector<1000x64xf32>
    %add3A_21 = arith.addf %dot_general3A_16, %add3A_20 : vector<1000x64xf32>
    %swap3A = arith.constant 0 : index
    %swap3A_22 = arith.constant 0 : index
    %swap3A_23 = vector.load %arg5[%swap3A, %swap3A_22] : memref<1000x64xf32, #tpu.memory_space<vmem>>, vector<1000x64xf32>
    tpu.vector_store %arg5[%swap3A, %swap3A_22], %add3A_21 {strides = array<i32>} : memref<1000x64xf32, #tpu.memory_space<vmem>>, vector<1000x64xf32>,
    %reduce_max3A = arith.constant dense<0xFF800000> : vector<1000xf32>
    %reduce_max3A_24 = vector.multi_reduction <maximumf>, %add3A_21, %reduce_max3A [1] : vector<1000x64xf32> to vector<1000xf32>
    %broadcast_in_dim3A = vector.shape_cast %reduce_max3A_24 : vector<1000xf32> to vector<1000x1xf32>
    %sub3A = vector.broadcast %broadcast_in_dim3A : vector<1000x1xf32> to vector<1000x64xf32>
    %sub3A_25 = arith.subf %add3A_21, %sub3A : vector<1000x64xf32>
    %exp3A = math.exp %sub3A_25 : vector<1000x64xf32>
    %reduce_sum3A = arith.constant dense<0.000000e+00> : vector<1000xf32>
    %reduce_sum3A_26 = vector.multi_reduction <add>, %exp3A, %reduce_sum3A [1] : vector<1000x64xf32> to vector<1000xf32>
    %broadcast_in_dim3A_27 = vector.shape_cast %reduce_sum3A_26 : vector<1000xf32> to vector<1000x1xf32>
    %div3A = vector.broadcast %broadcast_in_dim3A_27 : vector<1000x1xf32> to vector<1000x64xf32>
    %div3A_28 = arith.divf %exp3A, %div3A : vector<1000x64xf32>
    %swap3A_29 = arith.constant 0 : index
    %swap3A_30 = arith.constant 0 : index
    %swap3A_31 = vector.load %arg6[%swap3A_29, %swap3A_30] : memref<1000x64xf32, #tpu.memory_space<vmem>>, vector<1000x64xf32>
    tpu.vector_store %arg6[%swap3A_29, %swap3A_30], %div3A_28 {strides = array<i32>} : memref<1000x64xf32, #tpu.memory_space<vmem>>, vector<1000x64xf32>,
    return
  }
  func.func @transform_0(%arg0: i32) -> (i32, i32, i32) {
    %c0_i32 = arith.constant 0 : i32
    %c0_i32_0 = arith.constant 0 : i32
    %c0_i32_1 = arith.constant 0 : i32
    return %c0_i32, %arg0, %c0_i32_0 : i32, i32, i32
  }
  func.func @transform_1(%arg0: i32) -> (i32, i32) {
    %c0_i32 = arith.constant 0 : i32
    %c0_i32_0 = arith.constant 0 : i32
    return %arg0, %c0_i32 : i32, i32
  }
  func.func @transform_2(%arg0: i32) -> (i32, i32) {
    %c0_i32 = arith.constant 0 : i32
    %c0_i32_0 = arith.constant 0 : i32
    %c0_i32_1 = arith.constant 0 : i32
    return %c0_i32, %c0_i32_0 : i32, i32
  }
  func.func @transform_3(%arg0: i32) -> (i32, i32) {
    %c0_i32 = arith.constant 0 : i32
    %c0_i32_0 = arith.constant 0 : i32
    %c0_i32_1 = arith.constant 0 : i32
    return %c0_i32, %c0_i32_0 : i32, i32
  }
  func.func @transform_4(%arg0: i32) -> (i32, i32) {
    %c0_i32 = arith.constant 0 : i32
    %c0_i32_0 = arith.constant 0 : i32
    return %arg0, %c0_i32 : i32, i32
  }
  func.func @transform_5(%arg0: i32) -> (i32, i32) {
    %c0_i32 = arith.constant 0 : i32
    %c0_i32_0 = arith.constant 0 : i32
    return %arg0, %c0_i32 : i32, i32
  }
}

</mosaic_0001>

<sc_bundles>
// kernel: kernel.11.cloned.1.call-start
scs
__scs_entry_jumppad:
0x0: {  	(pc) =	sbr.rel $0x88, $3  }
0x1: {  	(tag) =	ssettag $0x0;
	lr =	simm.s32 $0x1  }
0x2: {  	[smem:$0x3F9A] =	sst lr;
	_ =	strace $0xD0000000  }
0x3: {  	_ = 	snop  }
0x4: {  	_ = 	snop  }
0x5: {  	_ = 	snop  }
0x6: {  	_ = 	snop  }
0x7: {  	_ = 	snop  }
__scs_overlays_trampoline_lowered:
0x8: {  	[smem:$0x3FA9] =	sst s0  }
0x9: {  	[smem:$0x3FAA] =	sst s1  }
0xa: {  	[smem:$0x3FAB] =	sst s2  }
0xb: {  	[smem:$0x3FAC] =	sst s3  }
0xc: {  	[smem:$0x3FAD] =	sst s4  }
0xd: {  	[smem:$0x3FAE] =	sst s5  }
0xe: {  	[smem:$0x3FAF] =	sst s6  }
0xf: {  	[smem:$0x3FB0] =	sst s7  }
0x10: {  	[smem:$0x3FB1] =	sst s8  }
0x11: {  	[smem:$0x3FB2] =	sst s9;
	s0 =	simm.s32 @!p0 $0x0  }
0x12: {  	s1 =	sld [smem:$0x3F98];
	s0 =	simm.s32 @p0 $0x1  }
0x13: {  	[smem:$0x3FB3] =	sst s0;
	s0 =	simm.s32 @!p1 $0x0  }
0x14: {  	s2 =	sld [smem:$0x3F97];
	s0 =	simm.s32 @p1 $0x1  }
0x15: {  	[smem:$0x3FB4] =	sst s0;
	s0 =	simm.s32 @!p2 $0x0  }
0x16: {  	s3 =	sld [smem:$0x3FDB];
	s0 =	simm.s32 @p2 $0x1  }
0x17: {  	s4 =	simm.s32 $0x1BF5;
	[smem:$0x3FB6] =	sst s0  }
0x18: {  	s0 =	sld [smem:$0x3F99];
	_ =	swait.ge [sflag:s4], $0x0  }
0x19: {  	s7 =	sld [smem:$0x3F9A]  }
0x1a: {  	s8 =	sadd.s32 $0xFFFFE003, lr  }
0x1b: {  	s9 =	sadd.s32 $0xFFFFFEF7, lr;
	s5 =	simm.s32 $0xFFFFFFFF;
	p2 =	slt.u32 s8, $0xFFFFF086  }
0x1c: {  	p1 =	slt.u32 s9, $0xF7A;
	s5 =	simm.s32 @!p2 $0x0  }
0x1d: {  	s5 =	simm.s32 @p1 $0x1;
	p0 =	seq.s32 s7, s2  }
0x1e: {  	s7 =	smul.u32 @!p0 $0xF7A, s2;
	p2 =	seq.s32 @!p0 s5, $0x0  }
0x1f: {  	s9 =	smul.u32 $0xF7A, s1;
	s8 =	simm.s32 @!p0 $0x1BF5;
	p2 =	por !p2, p0  }
0x20: {  	[sflag:s8] =	ssyncset.s32 @!p0 $0xFFFFF086;
	s6 =	sadd.s32 @!p0 s3, s7;
	s7 =	simm.s32 @!p0 $0x108  }
0x21: {  	s3 =	sadd.s32 s3, s9;
	s6 =	sadd.s32 @!p0 $0x88, s6;
	s7 =	simm.s32 @p2 $0x1082  }
0x22: {  	[simem:s7], [sflag:s8] =	dma.local @!p0 [hbm:s6], $0xF7A  }
0x23: {  	s9 =	sor.u32 $0xD0000000, s2;
	s6 =	simm.s32 $0x108;
	_ =	swait.ge @!p0 [sflag:s8], $0x0  }
0x24: {  	s3 =	sadd.s32 $0x88, s3;
	s6 =	simm.s32 @!p1 $0x1082;
	[sflag:s4] =	ssyncset.s32 $0xFFFFF086  }
0x25: {  	[simem:s6], [sflag:s4] =	dma.local [hbm:s3], $0xF7A  }
0x26: {  	[smem:$0x3F9A] =	sst s1;
	(tag) =	ssettag s2;
	_ =	strace s9  }
0x27: {  	s1 =	sld [smem:$0x3FAA]  }
0x28: {  	s2 =	sld [smem:$0x3FAB]  }
0x29: {  	s4 =	sld [smem:$0x3FAD]  }
0x2a: {  	p0 =	seq.s32 s5, $0x0;
	s5 =	sld [smem:$0x3FAE]  }
0x2b: {  	s6 =	sld [smem:$0x3FAF]  }
0x2c: {  	s7 =	sld [smem:$0x3FB0]  }
0x2d: {  	s3 =	simm.s32 $0x108;
	s8 =	sld [smem:$0x3FB1]  }
0x2e: {  	s3 =	simm.s32 @!p0 $0x1082;
	s9 =	sld [smem:$0x3FB2]  }
0x2f: {  	lr =	sadd.s32 s0, s3;
	s0 =	sld [smem:$0x3FA9]  }
0x30: {  	s3 =	sld [smem:$0x3FAC]  }
0x31: {  	[smem:$0x3FB5] =	sst s10  }
0x32: {  	s10 =	sld [smem:$0x3FB3];
	_ =	sdelay $0x3  }
0x33: {  	p0 =	seq.s32 s10, $0x1;
	s10 =	sld [smem:$0x3FB5];
	_ =	sdelay $0x3  }
0x34: {  	[smem:$0x3FB5] =	sst s10  }
0x35: {  	s10 =	sld [smem:$0x3FB4];
	_ =	sdelay $0x3  }
0x36: {  	p1 =	seq.s32 s10, $0x1;
	s10 =	sld [smem:$0x3FB5];
	_ =	sdelay $0x3  }
0x37: {  	[smem:$0x3FB5] =	sst s10  }
0x38: {  	s10 =	sld [smem:$0x3FB6]  }
0x39: {  	_ = 	snop;
	(pc) =	sbr.ind lr, $3  }
0x3a: {  	_ = 	snop  }
0x3b: {  	_ = 	snop  }
0x3c: {  	p2 =	seq.s32 s10, $0x1;
	s10 =	sld [smem:$0x3FB5]  }
0x3d: {  	_ =	shalt  }
0x3e: {  	_ =	shalt  }
0x3f: {  	_ =	shalt  }
0x40: {  	_ =	shalt  }
0x41: {  	_ =	shalt  }
0x42: {  	_ =	shalt  }
0x43: {  	_ =	shalt  }
0x44: {  	_ =	shalt  }
0x45: {  	_ =	shalt  }
0x46: {  	_ =	shalt  }
0x47: {  	_ =	shalt  }
0x48: {  	_ =	shalt  }
0x49: {  	_ =	shalt  }
0x4a: {  	_ =	shalt  }
0x4b: {  	_ =	shalt  }
0x4c: {  	_ =	shalt  }
0x4d: {  	_ =	shalt  }
0x4e: {  	_ =	shalt  }
0x4f: {  	_ =	shalt  }
0x50: {  	_ =	shalt  }
0x51: {  	_ =	shalt  }
0x52: {  	_ =	shalt  }
0x53: {  	_ =	shalt  }
0x54: {  	_ =	shalt  }
0x55: {  	_ =	shalt  }
0x56: {  	_ =	shalt  }
0x57: {  	_ =	shalt  }
0x58: {  	_ =	shalt  }
0x59: {  	_ =	shalt  }
0x5a: {  	_ =	shalt  }
0x5b: {  	_ =	shalt  }
0x5c: {  	_ =	shalt  }
0x5d: {  	_ =	shalt  }
0x5e: {  	_ =	shalt  }
0x5f: {  	_ =	shalt  }
0x60: {  	_ =	shalt  }
0x61: {  	_ =	shalt  }
0x62: {  	_ =	shalt  }
0x63: {  	_ =	shalt  }
0x64: {  	_ =	shalt  }
0x65: {  	_ =	shalt  }
0x66: {  	_ =	shalt  }
0x67: {  	_ =	shalt  }
0x68: {  	_ =	shalt  }
0x69: {  	_ =	shalt  }
0x6a: {  	_ =	shalt  }
0x6b: {  	_ =	shalt  }
0x6c: {  	_ =	shalt  }
0x6d: {  	_ =	shalt  }
0x6e: {  	_ =	shalt  }
0x6f: {  	_ =	shalt  }
0x70: {  	_ =	shalt  }
0x71: {  	_ =	shalt  }
0x72: {  	_ =	shalt  }
0x73: {  	_ =	shalt  }
0x74: {  	_ =	shalt  }
0x75: {  	_ =	shalt  }
0x76: {  	_ =	shalt  }
0x77: {  	_ =	shalt  }
0x78: {  	_ =	shalt  }
0x79: {  	_ =	shalt  }
0x7a: {  	_ =	shalt  }
0x7b: {  	_ =	shalt  }
0x7c: {  	_ =	shalt  }
0x7d: {  	_ =	shalt  }
0x7e: {  	_ =	shalt  }
0x7f: {  	_ =	shalt  }
0x80: {  	_ =	shalt  }
0x81: {  	_ =	shalt  }
0x82: {  	_ =	shalt  }
0x83: {  	_ =	shalt  }
0x84: {  	_ =	shalt  }
0x85: {  	_ =	shalt  }
0x86: {  	_ =	shalt  }
0x87: {  	_ =	shalt  }
.Lfunc_end0:
.L_simem_size_0:
called_computation.1_lowered:
.L_overlay_start_0:
0x88: {  	s2 =	sld [smem:$0x3FD9]  }
0x89: {  	s3 =	sld [smem:$0x3FFE];
	_ =	sdelay $0x1  }
0x8a: {  	s1 =	srdreg.scid  }
0x8b: {  	s0 =	sand.u32 $0x1, s1  }
0x8c: {  	s14 =	sshll.u32 s0, $0xA;
	s2 =	sadd.s32 s3, s2  }
0x8d: {  	s2 =	sadd.s32 s2, s14  }
0x8e: {  	[smem:$0x3FC1] =	sst s2  }
0x8f: {  	_ = 	snop  }
0x90: {  	s2 =	sld [smem:$0x3FD0];
	_ =	sdelay $0x2  }
0x91: {  	s15 =	simm.s32 $0xA;
	s4 =	simm.s32 $0x10  }
0x92: {  	[smem:s4], [sflag:s15] =	dma.local [hbm:s2], $0x1  }
0x93: {  	_ =	swait.eq [sflag:s15], $0x1  }
0x94: {  	[sflag:s15] =	ssyncset.done $0x0  }
0x95: {  	s16 =	sld [smem:$0x10];
	[sflag:s15] =	ssyncadd.s32 $0xFFFFFFFF  }
0x96: {  	s17 =	sld [smem:$0x11];
	(tm) =	ssettm $0x1  }
0x97: {  	s18 =	sld [smem:$0x3FFB];
	_ =	sdelay $0x3  }
0x98: {  	_ =	strace s18  }
0x99: {  	s4 =	sld [smem:$0x3FFC];
	_ =	sdelay $0x3  }
0x9a: {  	_ =	strace s4  }
0x9b: {  	s4 =	sld [smem:$0x3FFD];
	_ =	sdelay $0x3  }
0x9c: {  	_ =	strace s4  }
0x9d: {  	_ =	strace $0x8FFFFFFF  }
0x9e: {  	s19 =	sld [smem:$0x3FDB];
	_ =	sdelay $0x1  }
0x9f: {  	s5 =	simm.s32 $_scs_section_size  }
0xa0: {  	s6 =	simm.s32 $_size__tile_overlayer_lowered;
	s7 =	simm.s32 $_tile_overlayer_lowered  }
0xa1: {  	s22 =	simm.s32 $0x1BFF;
	s21 =	sshll.u32 s7, $0x1;
	s4 =	sadd.s32 s5, s19  }
0xa2: {  	s8 =	simm.s32 $0x0;
	s20 =	sshll.u32 s6, $0x1;
	s6 =	sadd.s32 s21, s4  }
0xa3: {  	[timem:s8], [sflag:s22] =	dma.local [hbm:s6], s20  }
0xa4: {  	_ =	swait.ge [sflag:s22], s20  }
0xa5: {  	s5 =	ssub.s32 $0x0, s20;
	[sflag:s22] =	ssyncset.done $0x0  }
0xa6: {  	[sflag:s22] =	ssyncadd.s32 s5;
	_ =	sdelay $0x1  }
0xa7: {  	s23 =	simm.s32 $0x1B8B  }
0xa8: {  	_ =	swait.ge [sflag:s23], $0x1  }
0xa9: {  	[sflag:s23] =	ssyncset.done $0x0  }
0xaa: {  	s25 =	simm.s32 $0x1B8E;
	s24 =	sld [smem:$0x3FFE];
	[sflag:s23] =	ssyncadd.s32 $0xFFFFFFFF  }
0xab: {  	s26 =	simm.s32 $execute0_lowered;
	[smem:$0x3FD2] =	sst s25  }
0xac: {  	s6 =	sshll.u32 s26, $0x1;
	_ =	strace $0x80000049;
	[dreg:$0x1] =	wrdreg $0xFFFFFFFF  }
0xad: {  	s28 =	simm.s32 $_size_execute0_lowered;
	s4 =	sadd.s32 s4, s6;
	[dreg:$0x0] =	wrdreg $0x0  }
0xae: {  	s6 =	sshll.u32 s28, $0x1;
	[dreg:$0x2] =	wrdreg s4  }
0xaf: {  	[dreg:$0x3] =	wrdreg s6  }
0xb0: {  	[dreg:$0x4] =	wrdreg $0xC0  }
0xb1: {  	_ =	task [dreg:s8], $0x5FFFF  }
0xb2: {  	[dreg:$0x1] =	wrdreg $0xFFFFFFFF  }
0xb3: {  	[dreg:$0x0] =	wrdreg $0x60  }
0xb4: {  	[dreg:$0x2] =	wrdreg s24  }
0xb5: {  	[dreg:$0x3] =	wrdreg s17  }
0xb6: {  	[dreg:$0x4] =	wrdreg s16  }
0xb7: {  	[dreg:$0x5] =	wrdreg $0x41800  }
0xb8: {  	[dreg:$0x6] =	wrdreg $0x9  }
0xb9: {  	_ =	task.clear_ibuf [dreg:s8], $0x7FFFF;
	_ =	strace $0x90000049  }
0xba: {  	s29 =	simm.s32 $0x9;
	_ =	strace $0x8000004B  }
0xbb: {  	_ =	swait.ge [sflag:s29], $0x1  }
0xbc: {  	[sflag:s29] =	ssyncadd.s32 $0xFFFFFFFF  }
0xbd: {  	_ =	strace $0x9000004B  }
0xbe: {  	_ =	sfence  }
0xbf: {  	s30 =	sld [smem:$0x0];
	_ =	sdelay $0x2  }
0xc0: {  	s31 =	sshll.u32 s1, $0xD;
	s1 =	sshrl.u32 s1, $0x2  }
0xc1: {  	s3 =	sand.u32 $0x4000, s31;
	s1 =	sadd.s32 s1, s30  }
0xc2: {  	s0 =	sor.u32 s3, s0;
	s1 =	sshll.u32 s1, $0x11  }
0xc3: {  	s0 =	sor.u32 s1, s0  }
0xc4: {  	s0 =	sadd.s32 $0x8F2B, s0  }
0xc5: {  	[sflag:s0] =	ssyncadd.remote.s32 $0x1  }
0xc6: {  	_ =	sfence.sel $0xFFFF  }
0xc7: {  	[dreg:$0x0] =	wrdreg $0xFFFFFFFF;
	(pc) =	sbr.abs _section_cstart, $3  }
0xc8: {  	[dreg:$0x1] =	wrdreg $0xFFFFFFFF  }
0xc9: {  	_ =	task.clear_ibuf [dreg:s8], $0x2FFFF;
	_ =	strace $0x9FFFFFFF  }
0xca: {  	(tm) =	ssettm $0x7FFFFFFF  }
0xcb: {  	_ =	shalt  }
tec
execute0_lowered:
.L_overlay_start_1:
0x0: {  	(tag) =	ssettag $0x1  }
0x1: {  	s8 =	rddreg [dreg:$0x0]  }
0x2: {  	s0 =	rddreg [dreg:$0x1]  }
0x3: {  	s3 =	rddreg [dreg:$0x2]  }
0x4: {  	s1 =	srdreg.scid;
	s4 =	rddreg [dreg:$0x3]  }
0x5: {  	s2 =	stileid.u32;
	s5 =	simm.s32 $0x0;
	s16 =	simm.s32 $0x180  }
0x6: {  	s17 =	simm.s32 $0x2;
	s18 =	simm.s32 $0x80;
	s19 =	simm.s32 $0x100  }
0x7: {  	s9 =	sand.u32 $0x1, s1;
	s1 =	rddreg [dreg:$0x4];
	s7 =	smul.u32 $0x13C00, s2  }
0x8: {  	s20 =	simm.s32 $0x1;
	[smem:$0x7FF] =	sst s5;
	s11 =	smul.u32 $0x4F000, s2  }
0x9: {  	s21 =	sshll.u32 s2, $0x6;
	s6 =	smul.u32 $0x13C000, s9;
	_ =	strace $0x8000004A  }
0xa: {  	s30 =	ssub.s32 $0x2, s9;
	s9 =	sshll.u32 s9, $0x4;
	s21 =	sor.u32 $0x1C02, s21  }
0xb: {  	s31 =	sshrl.u32 s30, $0x1;
	s11 =	sshrl.u32 s11, $0x2;
	s13 =	sor.u32 s2, s9  }
0xc: {  	s7 =	sadd.s32 s7, s6;
	s6 =	sadd.s32 $0xC000, s8;
	s15 =	ssub.s32 s30, s31  }
0xd: {  	s13 =	smul.u32 $0x4F, s13;
	s10 =	sshrl.u32 s7, $0x3;
	s7 =	sadd.s32 $0x2200, s8  }
0xe: {  	s15 =	smax.u32 s15, $0x1;
	s14 =	sadd.s32 s10, s8;
	s8 =	sadd.s32 s11, s4  }
0xf: {  	s9 =	sadd.s32 $0x4000, s8;
	s10 =	sadd.s32 $0x8000, s8;
	s11 =	sadd.s32 $0xC000, s8  }
0x10: {  	v0 =	vimm.f32 $0.0e+00;
	s12 =	sadd.s32 $0x10000, s8;
	s14 =	sadd.s32 $0x33200, s14;
	s22 =	sshrl.u32 s8, $0x3  }
.LBB2_1:
0x11: {  	s23 =	simm.s32 $0x0;
	s24 =	simm.s32 $0x200  }
.LBB2_2:
0x12: {  	p0 =	sne.s32 s24, $0xFE00;
	[tilespmem:s23+$0x1F0] =	vst v0  }
0x13: {  	[tilespmem:s23+$0x180] =	vst v0  }
0x14: {  	[tilespmem:s23+$0x190] =	vst v0  }
.Ltmp0:
0x15: {  	[tilespmem:s23+$0x1A0] =	vst v0;
	(pc) =	sbr.rel @p0 .LBB2_2-.Ltmp0, $4  }
0x16: {  	[tilespmem:s23+$0x1B0] =	vst v0  }
0x17: {  	[tilespmem:s23+$0x1C0] =	vst v0  }
0x18: {  	[tilespmem:s23+$0x1D0] =	vst v0  }
0x19: {  	[tilespmem:s23+$0x1E0] =	vst v0;
	s23 =	sshra.s32 s24, $0x2;
	s24 =	sadd.s32 $0x200, s24  }
0x1a: {  	[tilespmem:s23+$0x1F0] =	vst v0  }
0x1b: {  	[tilespmem:s23+$0x180] =	vst v0  }
0x1c: {  	[tilespmem:s23+$0x190] =	vst v0  }
0x1d: {  	[tilespmem:s23+$0x1A0] =	vst v0  }
0x1e: {  	[tilespmem:s23+$0x1B0] =	vst v0  }
0x1f: {  	[tilespmem:s23+$0x1C0] =	vst v0  }
0x20: {  	[tilespmem:s23+$0x1D0] =	vst v0  }
0x21: {  	[tilespmem:s23+$0x1E0] =	vst v0  }
0x22: {  	[spmem:s8] =	stream.linear.scatter [tilespmem:s16], [sflag:$0x2], $0x4000, $0x38;
	[tilespmem:$0x17D80] =	vst v63  }
0x23: {  	_ =	swait.ge [sflag:s17], $0x4000  }
0x24: {  	[sflag:s17] =	ssyncset.done $0x0  }
0x25: {  	[sflag:s17] =	ssyncadd.s32 $0xFFFFC000  }
0x26: {  	[spmem:s9] =	stream.linear.scatter [tilespmem:s16], [sflag:$0x2], $0x4000, $0x38;
	[tilespmem:$0x17D80] =	vst v63  }
0x27: {  	_ =	swait.ge [sflag:s17], $0x4000  }
0x28: {  	[sflag:s17] =	ssyncset.done $0x0  }
0x29: {  	[sflag:s17] =	ssyncadd.s32 $0xFFFFC000  }
0x2a: {  	[spmem:s10] =	stream.linear.scatter [tilespmem:s16], [sflag:$0x2], $0x4000, $0x38;
	[tilespmem:$0x17D80] =	vst v63  }
0x2b: {  	_ =	swait.ge [sflag:s17], $0x4000  }
0x2c: {  	[sflag:s17] =	ssyncset.done $0x0  }
0x2d: {  	[sflag:s17] =	ssyncadd.s32 $0xFFFFC000  }
0x2e: {  	[spmem:s11] =	stream.linear.scatter [tilespmem:s16], [sflag:$0x2], $0x4000, $0x38;
	[tilespmem:$0x17D80] =	vst v63  }
0x2f: {  	_ =	swait.ge [sflag:s17], $0x4000  }
0x30: {  	[sflag:s17] =	ssyncset.done $0x0  }
0x31: {  	[sflag:s17] =	ssyncadd.s32 $0xFFFFC000  }
0x32: {  	[spmem:s12] =	stream.linear.scatter [tilespmem:s16], [sflag:$0x2], $0x3C00, $0x38;
	[tilespmem:$0x17D80] =	vst v63  }
0x33: {  	_ =	swait.ge [sflag:s17], $0x3C00  }
0x34: {  	[sflag:s17] =	ssyncset.done $0x0  }
0x35: {  	[sflag:s17] =	ssyncadd.s32 $0xFFFFC400  }
0x36: {  	s23 =	simm.s32 $0x0;
	s24 =	simm.s32 $0x0;
	[bflag:$0x0] =	sbarrier.arrive $0xFFFF  }
.LBB2_4:
0x37: {  	s25 =	sadd.s32 s13, s24  }
0x38: {  	s25 =	sshll.u32 s25, $0x4  }
0x39: {  	s26 =	sadd.s32 s0, s25  }
0x3a: {  	[tilespmem:s23], [sflag:$0x2] =	stream.linear.gather [hbm4b:s26+s23], $0x80, $0x38;
	[tilespmem:$0x17D80] =	vst v63  }
0x3b: {  	_ =	swait.ge [sflag:s17], $0x80  }
0x3c: {  	[sflag:s17] =	ssyncset.done $0x0  }
0x3d: {  	s31 =	sadd.s32 s3, s25;
	[sflag:s17] =	ssyncadd.s32 $0xFFFFFF80  }
0x3e: {  	[tilespmem:s18], [sflag:$0x2] =	stream.linear.gather [hbm4b:s31+s23], $0x80, $0x38;
	[tilespmem:$0x17D80] =	vst v63  }
0x3f: {  	_ =	swait.ge [sflag:s17], $0x80  }
0x40: {  	[sflag:s17] =	ssyncset.done $0x0  }
0x41: {  	s25 =	sadd.s32 s7, s25;
	[sflag:s17] =	ssyncadd.s32 $0xFFFFFF80  }
0x42: {  	[tilespmem:s19], [sflag:$0x2] =	stream.linear.gather [hbm4b:s25+s23], $0x80, $0x38;
	[tilespmem:$0x17D80] =	vst v63  }
0x43: {  	_ =	swait.ge [sflag:s17], $0x80  }
0x44: {  	[sflag:s17] =	ssyncset.done $0x0  }
0x45: {  	[sflag:s17] =	ssyncadd.s32 $0xFFFFFF80  }
0x46: {  	[tilespmem:s16], [sflag:$0x1] =	stream.indirect.gather [hbm4b:s6+s18], $0x80, s23, s18, $0xb8;
	[tilespmem:$0x17D80] =	vst v63  }
0x47: {  	_ =	swait.ge [sflag:s20], $0x4000  }
0x48: {  	v1 =	vmov s23;
	[sflag:s20] =	ssyncset.done $0x0  }
0x49: {  	s25 =	simm.s32 $0x1C0;
	[sflag:s20] =	ssyncadd.s32 $0xFFFFC000  }
0x4a: {  	v5 =	vld [tilespmem:s25+$0x30]  }
0x4b: {  	v8 =	vld [tilespmem:s25+$0x10]  }
0x4c: {  	v6 =	vld [tilespmem:s25+$0xFFFFFFC0]  }
0x4d: {  	v2 =	vld.idx.msk [tilespmem:v1+s19+$0x0], $0xffff  }
0x4e: {  	v10 =	vld [tilespmem:s25+$0xFFFFFFE0]  }
0x4f: {  	v1 =	vld [tilespmem:s25+$0xFFFFFFF0]  }
0x50: {  	v3 =	vld [tilespmem:s25+$0x20]  }
0x51: {  	v4 =	vld [tilespmem:s25+$0xFFFFFFD0]  }
0x52: {  	v9 =	vmul.f32 v5, v2;
	v5 =	vld [tilespmem:s25+$0x0]  }
0x53: {  	v7 =	vmul.f32 v6, v2  }
0x54: {  	s28 =	simm.s32 $0x1C0;
	s26 =	simm.s32 $0x1;
	v6 =	vmul.f32 v10, v2;
	v8 =	vmul.f32 v8, v2  }
.LBB2_5:
0x55: {  	p0 =	sne.s32 s26, $0x7F  }
0x56: {  	v4 =	vmul.f32 v4, v2;
	v3 =	vmul.f32 v3, v2;
	[tilespmem:s25+$0x30] =	vst v9;
	s28 =	sadd.s32 $0x80, s28;
	s29 =	smov.u32 s26;
	s26 =	sadd.s32 $0x1, s26  }
0x57: {  	[tilespmem:s25+$0xFFFFFFC0] =	vst v7;
	v7 =	vmul.f32 v1, v2;
	v2 =	vmul.f32 v5, v2  }
0x58: {  	[tilespmem:s25+$0x10] =	vst v8  }
0x59: {  	v5 =	vmov s29;
	[tilespmem:s25+$0xFFFFFFE0] =	vst v6  }
0x5a: {  	v1 =	vld [tilespmem:s28+$0xFFFFFFF0];
	[tilespmem:s25+$0xFFFFFFF0] =	vst v7  }
0x5b: {  	v6 =	vld [tilespmem:s28+$0x30];
	[tilespmem:s25+$0x0] =	vst v2  }
0x5c: {  	v8 =	vld [tilespmem:s28+$0x10];
	[tilespmem:s25+$0x20] =	vst v3  }
0x5d: {  	v7 =	vld [tilespmem:s28+$0xFFFFFFC0];
	[tilespmem:s25+$0xFFFFFFD0] =	vst v4;
	s25 =	smov.u32 s28  }
0x5e: {  	v2 =	vld.idx.msk [tilespmem:v5+s19+$0x0], $0xffff  }
0x5f: {  	v10 =	vld [tilespmem:s28+$0xFFFFFFE0]  }
0x60: {  	v3 =	vld [tilespmem:s28+$0x20]  }
.Ltmp1:
0x61: {  	v4 =	vld [tilespmem:s28+$0xFFFFFFD0];
	(pc) =	sbr.rel @p0 .LBB2_5-.Ltmp1, $3  }
0x62: {  	v5 =	vld [tilespmem:s28+$0x0];
	_ =	sdelay $0x1  }
0x63: {  	v7 =	vmul.f32 v7, v2;
	v9 =	vmul.f32 v6, v2  }
0x64: {  	v8 =	vmul.f32 v8, v2;
	v6 =	vmul.f32 v10, v2  }
0x65: {  	[tilespmem:s25+$0x30] =	vst v9  }
0x66: {  	[tilespmem:s25+$0xFFFFFFC0] =	vst v7  }
0x67: {  	v1 =	vmul.f32 v1, v2;
	[tilespmem:s25+$0x10] =	vst v8  }
0x68: {  	v3 =	vmul.f32 v3, v2;
	[tilespmem:s25+$0xFFFFFFE0] =	vst v6  }
0x69: {  	v5 =	vmul.f32 v5, v2;
	[tilespmem:s25+$0xFFFFFFF0] =	vst v1  }
0x6a: {  	s24 =	sadd.s32 $0x1, s24;
	v1 =	vmul.f32 v4, v2;
	[tilespmem:s25+$0x20] =	vst v3  }
0x6b: {  	p0 =	sne.s32 s24, $0x4F;
	[tilespmem:s25+$0x0] =	vst v5  }
.Ltmp2:
0x6c: {  	[tilespmem:s25+$0xFFFFFFD0] =	vst v1;
	(pc) =	sbr.rel @p0 .LBB2_4-.Ltmp2, $4  }
0x6d: {  	[spmem:s4] =	stream.indirect.scatter.add.f32 [tilespmem:s16], [sflag:$0x2], $0x80, s18, s18, $0xb8;
	[tilespmem:$0x17D80] =	vst v63  }
0x6e: {  	_ =	swait.ge [sflag:s17], $0x4000  }
0x6f: {  	[sflag:s17] =	ssyncset.done $0x0  }
0x70: {  	[sflag:s17] =	ssyncadd.s32 $0xFFFFC000  }
0x71: {  	s5 =	sadd.s32 $0x1, s5  }
0x72: {  	p0 =	sne.s32 s5, s15  }
.Ltmp3:
0x73: {  	[bflag:$0x0] =	sbarrier.arrive $0xFFFF;
	(pc) =	sbr.rel @p0 .LBB2_1-.Ltmp3, $4  }
0x74: {  	[hbm:s14], [sflag:s21] =	dma.local [spmem:s22], $0x2780  }
0x75: {  	_ =	swait.ge [sflag:s17], $0x2780  }
0x76: {  	[sflag:s17] =	ssyncset.done $0x0  }
0x77: {  	[sflag:s17] =	ssyncadd.s32 $0xFFFFD880  }
0x78: {  	_ =	sfence.sel $0x180000  }
0x79: {  	[bflag:$0x0] =	sbarrier.arrive $0xFFFF  }
0x7a: {  	p0 =	sne.s32 s2, $0x0;
	_ =	strace $0x9000004A  }
0x7b: {  	s0 =	sadd.s32 @!p0 $0x100000, s1;
	[bflag:$0x2] =	sbarrier.arrive $0xFFFF  }
0x7c: {  	[sflag:s0] =	ssyncadd.tile.s32 @!p0 $0x1;
	_ =	shalt  }
.Lfunc_end2:
_tile_overlayer_lowered:
.L_overlay_start_2:
0x7d: {  	(tag) =	ssettag $0x2  }
0x7e: {  	s0 =	rddreg [dreg:$0x0];
	s2 =	stileid.u32  }
0x7f: {  	s1 =	rddreg [dreg:$0x1];
	p0 =	sne.s32 s2, $0x0  }
0x80: {  	s3 =	rddreg [dreg:$0x2];
	[bflag:$0x3] =	sbarrier.arrive $0xFFFF;
	s2 =	simm.s32 @!p0 $0x1C02  }
0x81: {  	[timem:s3], [sflag:s2] =	dma.local @!p0 [hbm:s0], s1  }
0x82: {  	s0 =	simm.s32 @!p0 $0x2  }
0x83: {  	_ =	swait.ge @!p0 [sflag:s0], s1  }
0x84: {  	s1 =	ssub.s32 @!p0 $0x0, s1;
	[sflag:s0] =	ssyncset.done @!p0 $0x0  }
0x85: {  	[sflag:s0] =	ssyncadd.s32 @!p0 s1  }
0x86: {  	[bflag:$0x3] =	sbarrier.arrive $0xFFFF  }
0x87: {  	_ =	shalt  }

// kernel: kernel.14.cloned.1.call-start
scs
__scs_entry_jumppad:
0x0: {  	(pc) =	sbr.rel $0x88, $3  }
0x1: {  	(tag) =	ssettag $0x0;
	lr =	simm.s32 $0x1  }
0x2: {  	[smem:$0x3F9A] =	sst lr;
	_ =	strace $0xD0000000  }
0x3: {  	_ = 	snop  }
0x4: {  	_ = 	snop  }
0x5: {  	_ = 	snop  }
0x6: {  	_ = 	snop  }
0x7: {  	_ = 	snop  }
__scs_overlays_trampoline_lowered:
0x8: {  	[smem:$0x3FA9] =	sst s0  }
0x9: {  	[smem:$0x3FAA] =	sst s1  }
0xa: {  	[smem:$0x3FAB] =	sst s2  }
0xb: {  	[smem:$0x3FAC] =	sst s3  }
0xc: {  	[smem:$0x3FAD] =	sst s4  }
0xd: {  	[smem:$0x3FAE] =	sst s5  }
0xe: {  	[smem:$0x3FAF] =	sst s6  }
0xf: {  	[smem:$0x3FB0] =	sst s7  }
0x10: {  	[smem:$0x3FB1] =	sst s8  }
0x11: {  	[smem:$0x3FB2] =	sst s9;
	s0 =	simm.s32 @!p0 $0x0  }
0x12: {  	s1 =	sld [smem:$0x3F98];
	s0 =	simm.s32 @p0 $0x1  }
0x13: {  	[smem:$0x3FB3] =	sst s0;
	s0 =	simm.s32 @!p1 $0x0  }
0x14: {  	s2 =	sld [smem:$0x3F97];
	s0 =	simm.s32 @p1 $0x1  }
0x15: {  	[smem:$0x3FB4] =	sst s0;
	s0 =	simm.s32 @!p2 $0x0  }
0x16: {  	s3 =	sld [smem:$0x3FDB];
	s0 =	simm.s32 @p2 $0x1  }
0x17: {  	s4 =	simm.s32 $0x1BF5;
	[smem:$0x3FB6] =	sst s0  }
0x18: {  	s0 =	sld [smem:$0x3F99];
	_ =	swait.ge [sflag:s4], $0x0  }
0x19: {  	s7 =	sld [smem:$0x3F9A]  }
0x1a: {  	s8 =	sadd.s32 $0xFFFFE003, lr  }
0x1b: {  	s9 =	sadd.s32 $0xFFFFFEF7, lr;
	s5 =	simm.s32 $0xFFFFFFFF;
	p2 =	slt.u32 s8, $0xFFFFF086  }
0x1c: {  	p1 =	slt.u32 s9, $0xF7A;
	s5 =	simm.s32 @!p2 $0x0  }
0x1d: {  	s5 =	simm.s32 @p1 $0x1;
	p0 =	seq.s32 s7, s2  }
0x1e: {  	s7 =	smul.u32 @!p0 $0xF7A, s2;
	p2 =	seq.s32 @!p0 s5, $0x0  }
0x1f: {  	s9 =	smul.u32 $0xF7A, s1;
	s8 =	simm.s32 @!p0 $0x1BF5;
	p2 =	por !p2, p0  }
0x20: {  	[sflag:s8] =	ssyncset.s32 @!p0 $0xFFFFF086;
	s6 =	sadd.s32 @!p0 s3, s7;
	s7 =	simm.s32 @!p0 $0x108  }
0x21: {  	s3 =	sadd.s32 s3, s9;
	s6 =	sadd.s32 @!p0 $0x88, s6;
	s7 =	simm.s32 @p2 $0x1082  }
0x22: {  	[simem:s7], [sflag:s8] =	dma.local @!p0 [hbm:s6], $0xF7A  }
0x23: {  	s9 =	sor.u32 $0xD0000000, s2;
	s6 =	simm.s32 $0x108;
	_ =	swait.ge @!p0 [sflag:s8], $0x0  }
0x24: {  	s3 =	sadd.s32 $0x88, s3;
	s6 =	simm.s32 @!p1 $0x1082;
	[sflag:s4] =	ssyncset.s32 $0xFFFFF086  }
0x25: {  	[simem:s6], [sflag:s4] =	dma.local [hbm:s3], $0xF7A  }
0x26: {  	[smem:$0x3F9A] =	sst s1;
	(tag) =	ssettag s2;
	_ =	strace s9  }
0x27: {  	s1 =	sld [smem:$0x3FAA]  }
0x28: {  	s2 =	sld [smem:$0x3FAB]  }
0x29: {  	s4 =	sld [smem:$0x3FAD]  }
0x2a: {  	p0 =	seq.s32 s5, $0x0;
	s5 =	sld [smem:$0x3FAE]  }
0x2b: {  	s6 =	sld [smem:$0x3FAF]  }
0x2c: {  	s7 =	sld [smem:$0x3FB0]  }
0x2d: {  	s3 =	simm.s32 $0x108;
	s8 =	sld [smem:$0x3FB1]  }
0x2e: {  	s3 =	simm.s32 @!p0 $0x1082;
	s9 =	sld [smem:$0x3FB2]  }
0x2f: {  	lr =	sadd.s32 s0, s3;
	s0 =	sld [smem:$0x3FA9]  }
0x30: {  	s3 =	sld [smem:$0x3FAC]  }
0x31: {  	[smem:$0x3FB5] =	sst s10  }
0x32: {  	s10 =	sld [smem:$0x3FB3];
	_ =	sdelay $0x3  }
0x33: {  	p0 =	seq.s32 s10, $0x1;
	s10 =	sld [smem:$0x3FB5];
	_ =	sdelay $0x3  }
0x34: {  	[smem:$0x3FB5] =	sst s10  }
0x35: {  	s10 =	sld [smem:$0x3FB4];
	_ =	sdelay $0x3  }
0x36: {  	p1 =	seq.s32 s10, $0x1;
	s10 =	sld [smem:$0x3FB5];
	_ =	sdelay $0x3  }
0x37: {  	[smem:$0x3FB5] =	sst s10  }
0x38: {  	s10 =	sld [smem:$0x3FB6]  }
0x39: {  	_ = 	snop;
	(pc) =	sbr.ind lr, $3  }
0x3a: {  	_ = 	snop  }
0x3b: {  	_ = 	snop  }
0x3c: {  	p2 =	seq.s32 s10, $0x1;
	s10 =	sld [smem:$0x3FB5]  }
0x3d: {  	_ =	shalt  }
0x3e: {  	_ =	shalt  }
0x3f: {  	_ =	shalt  }
0x40: {  	_ =	shalt  }
0x41: {  	_ =	shalt  }
0x42: {  	_ =	shalt  }
0x43: {  	_ =	shalt  }
0x44: {  	_ =	shalt  }
0x45: {  	_ =	shalt  }
0x46: {  	_ =	shalt  }
0x47: {  	_ =	shalt  }
0x48: {  	_ =	shalt  }
0x49: {  	_ =	shalt  }
0x4a: {  	_ =	shalt  }
0x4b: {  	_ =	shalt  }
0x4c: {  	_ =	shalt  }
0x4d: {  	_ =	shalt  }
0x4e: {  	_ =	shalt  }
0x4f: {  	_ =	shalt  }
0x50: {  	_ =	shalt  }
0x51: {  	_ =	shalt  }
0x52: {  	_ =	shalt  }
0x53: {  	_ =	shalt  }
0x54: {  	_ =	shalt  }
0x55: {  	_ =	shalt  }
0x56: {  	_ =	shalt  }
0x57: {  	_ =	shalt  }
0x58: {  	_ =	shalt  }
0x59: {  	_ =	shalt  }
0x5a: {  	_ =	shalt  }
0x5b: {  	_ =	shalt  }
0x5c: {  	_ =	shalt  }
0x5d: {  	_ =	shalt  }
0x5e: {  	_ =	shalt  }
0x5f: {  	_ =	shalt  }
0x60: {  	_ =	shalt  }
0x61: {  	_ =	shalt  }
0x62: {  	_ =	shalt  }
0x63: {  	_ =	shalt  }
0x64: {  	_ =	shalt  }
0x65: {  	_ =	shalt  }
0x66: {  	_ =	shalt  }
0x67: {  	_ =	shalt  }
0x68: {  	_ =	shalt  }
0x69: {  	_ =	shalt  }
0x6a: {  	_ =	shalt  }
0x6b: {  	_ =	shalt  }
0x6c: {  	_ =	shalt  }
0x6d: {  	_ =	shalt  }
0x6e: {  	_ =	shalt  }
0x6f: {  	_ =	shalt  }
0x70: {  	_ =	shalt  }
0x71: {  	_ =	shalt  }
0x72: {  	_ =	shalt  }
0x73: {  	_ =	shalt  }
0x74: {  	_ =	shalt  }
0x75: {  	_ =	shalt  }
0x76: {  	_ =	shalt  }
0x77: {  	_ =	shalt  }
0x78: {  	_ =	shalt  }
0x79: {  	_ =	shalt  }
0x7a: {  	_ =	shalt  }
0x7b: {  	_ =	shalt  }
0x7c: {  	_ =	shalt  }
0x7d: {  	_ =	shalt  }
0x7e: {  	_ =	shalt  }
0x7f: {  	_ =	shalt  }
0x80: {  	_ =	shalt  }
0x81: {  	_ =	shalt  }
0x82: {  	_ =	shalt  }
0x83: {  	_ =	shalt  }
0x84: {  	_ =	shalt  }
0x85: {  	_ =	shalt  }
0x86: {  	_ =	shalt  }
0x87: {  	_ =	shalt  }
.Lfunc_end0:
.L_simem_size_0:
called_computation.2_lowered:
.L_overlay_start_0:
0x88: {  	s2 =	sld [smem:$0x3FD9]  }
0x89: {  	s3 =	sld [smem:$0x3FFE];
	_ =	sdelay $0x1  }
0x8a: {  	s1 =	srdreg.scid  }
0x8b: {  	s0 =	sand.u32 $0x1, s1  }
0x8c: {  	s14 =	sshll.u32 s0, $0xA;
	s2 =	sadd.s32 s3, s2  }
0x8d: {  	s2 =	sadd.s32 s2, s14  }
0x8e: {  	[smem:$0x3FC1] =	sst s2  }
0x8f: {  	_ = 	snop  }
0x90: {  	s2 =	sld [smem:$0x3FD0];
	_ =	sdelay $0x2  }
0x91: {  	s15 =	simm.s32 $0xA;
	s4 =	simm.s32 $0x10  }
0x92: {  	[smem:s4], [sflag:s15] =	dma.local [hbm:s2], $0x1  }
0x93: {  	_ =	swait.eq [sflag:s15], $0x1  }
0x94: {  	[sflag:s15] =	ssyncset.done $0x0  }
0x95: {  	s16 =	sld [smem:$0x10];
	[sflag:s15] =	ssyncadd.s32 $0xFFFFFFFF  }
0x96: {  	s17 =	sld [smem:$0x11];
	(tm) =	ssettm $0x1  }
0x97: {  	s18 =	sld [smem:$0x3FFB];
	_ =	sdelay $0x3  }
0x98: {  	_ =	strace s18  }
0x99: {  	s4 =	sld [smem:$0x3FFC];
	_ =	sdelay $0x3  }
0x9a: {  	_ =	strace s4  }
0x9b: {  	s4 =	sld [smem:$0x3FFD];
	_ =	sdelay $0x3  }
0x9c: {  	_ =	strace s4  }
0x9d: {  	_ =	strace $0x8FFFFFFF  }
0x9e: {  	s19 =	sld [smem:$0x3FDB];
	_ =	sdelay $0x1  }
0x9f: {  	s5 =	simm.s32 $_scs_section_size  }
0xa0: {  	s6 =	simm.s32 $_size__tile_overlayer_lowered;
	s7 =	simm.s32 $_tile_overlayer_lowered  }
0xa1: {  	s22 =	simm.s32 $0x1BFF;
	s21 =	sshll.u32 s7, $0x1;
	s4 =	sadd.s32 s5, s19  }
0xa2: {  	s8 =	simm.s32 $0x0;
	s20 =	sshll.u32 s6, $0x1;
	s6 =	sadd.s32 s21, s4  }
0xa3: {  	[timem:s8], [sflag:s22] =	dma.local [hbm:s6], s20  }
0xa4: {  	_ =	swait.ge [sflag:s22], s20  }
0xa5: {  	s5 =	ssub.s32 $0x0, s20;
	[sflag:s22] =	ssyncset.done $0x0  }
0xa6: {  	[sflag:s22] =	ssyncadd.s32 s5;
	_ =	sdelay $0x1  }
0xa7: {  	s23 =	simm.s32 $0x1B8B  }
0xa8: {  	_ =	swait.ge [sflag:s23], $0x1  }
0xa9: {  	[sflag:s23] =	ssyncset.done $0x0  }
0xaa: {  	s25 =	simm.s32 $0x1B8E;
	s24 =	sld [smem:$0x3FFE];
	[sflag:s23] =	ssyncadd.s32 $0xFFFFFFFF  }
0xab: {  	s26 =	simm.s32 $execute0_lowered;
	[smem:$0x3FD2] =	sst s25  }
0xac: {  	s6 =	sshll.u32 s26, $0x1;
	_ =	strace $0x8000004C;
	[dreg:$0x1] =	wrdreg $0xFFFFFFFF  }
0xad: {  	s28 =	simm.s32 $_size_execute0_lowered;
	s4 =	sadd.s32 s4, s6;
	[dreg:$0x0] =	wrdreg $0x0  }
0xae: {  	s6 =	sshll.u32 s28, $0x1;
	[dreg:$0x2] =	wrdreg s4  }
0xaf: {  	[dreg:$0x3] =	wrdreg s6  }
0xb0: {  	[dreg:$0x4] =	wrdreg $0xC0  }
0xb1: {  	_ =	task [dreg:s8], $0x5FFFF  }
0xb2: {  	[dreg:$0x1] =	wrdreg $0xFFFFFFFF  }
0xb3: {  	[dreg:$0x0] =	wrdreg $0x60  }
0xb4: {  	[dreg:$0x2] =	wrdreg s24  }
0xb5: {  	[dreg:$0x3] =	wrdreg s17  }
0xb6: {  	[dreg:$0x4] =	wrdreg s16  }
0xb7: {  	[dreg:$0x5] =	wrdreg $0x41800  }
0xb8: {  	[dreg:$0x6] =	wrdreg $0x9  }
0xb9: {  	_ =	task.clear_ibuf [dreg:s8], $0x7FFFF;
	_ =	strace $0x9000004C  }
0xba: {  	s29 =	simm.s32 $0x9;
	_ =	strace $0x8000004E  }
0xbb: {  	_ =	swait.ge [sflag:s29], $0x1  }
0xbc: {  	[sflag:s29] =	ssyncadd.s32 $0xFFFFFFFF  }
0xbd: {  	_ =	strace $0x9000004E  }
0xbe: {  	_ =	sfence  }
0xbf: {  	s30 =	sld [smem:$0x0];
	_ =	sdelay $0x2  }
0xc0: {  	s31 =	sshll.u32 s1, $0xD;
	s1 =	sshrl.u32 s1, $0x2  }
0xc1: {  	s3 =	sand.u32 $0x4000, s31;
	s1 =	sadd.s32 s1, s30  }
0xc2: {  	s0 =	sor.u32 s3, s0;
	s1 =	sshll.u32 s1, $0x11  }
0xc3: {  	s0 =	sor.u32 s1, s0  }
0xc4: {  	s0 =	sadd.s32 $0x8F2B, s0  }
0xc5: {  	[sflag:s0] =	ssyncadd.remote.s32 $0x1  }
0xc6: {  	_ =	sfence.sel $0xFFFF  }
0xc7: {  	[dreg:$0x0] =	wrdreg $0xFFFFFFFF;
	(pc) =	sbr.abs _section_cstart, $3  }
0xc8: {  	[dreg:$0x1] =	wrdreg $0xFFFFFFFF  }
0xc9: {  	_ =	task.clear_ibuf [dreg:s8], $0x2FFFF;
	_ =	strace $0x9FFFFFFF  }
0xca: {  	(tm) =	ssettm $0x7FFFFFFF  }
0xcb: {  	_ =	shalt  }
tec
execute0_lowered:
.L_overlay_start_1:
0x0: {  	(tag) =	ssettag $0x1  }
0x1: {  	s8 =	rddreg [dreg:$0x0]  }
0x2: {  	s0 =	rddreg [dreg:$0x1]  }
0x3: {  	s3 =	rddreg [dreg:$0x2]  }
0x4: {  	s1 =	srdreg.scid;
	s4 =	rddreg [dreg:$0x3]  }
0x5: {  	s2 =	stileid.u32;
	s5 =	simm.s32 $0x0;
	s16 =	simm.s32 $0x180  }
0x6: {  	s17 =	simm.s32 $0x2;
	s18 =	simm.s32 $0x80;
	s19 =	simm.s32 $0x100  }
0x7: {  	s9 =	sand.u32 $0x1, s1;
	s1 =	rddreg [dreg:$0x4];
	s7 =	smul.u32 $0x13C00, s2  }
0x8: {  	s20 =	simm.s32 $0x1;
	[smem:$0x7FF] =	sst s5;
	s11 =	smul.u32 $0x4F000, s2  }
0x9: {  	s21 =	sshll.u32 s2, $0x6;
	s6 =	smul.u32 $0x13C000, s9;
	_ =	strace $0x8000004D  }
0xa: {  	s30 =	ssub.s32 $0x2, s9;
	s9 =	sshll.u32 s9, $0x4;
	s21 =	sor.u32 $0x1C02, s21  }
0xb: {  	s31 =	sshrl.u32 s30, $0x1;
	s11 =	sshrl.u32 s11, $0x2;
	s13 =	sor.u32 s2, s9  }
0xc: {  	s7 =	sadd.s32 s7, s6;
	s6 =	sadd.s32 $0xC000, s8;
	s15 =	ssub.s32 s30, s31  }
0xd: {  	s13 =	smul.u32 $0x4F, s13;
	s10 =	sshrl.u32 s7, $0x3;
	s7 =	sadd.s32 $0x2200, s8  }
0xe: {  	s15 =	smax.u32 s15, $0x1;
	s14 =	sadd.s32 s10, s8;
	s8 =	sadd.s32 s11, s4  }
0xf: {  	s9 =	sadd.s32 $0x4000, s8;
	s10 =	sadd.s32 $0x8000, s8;
	s11 =	sadd.s32 $0xC000, s8  }
0x10: {  	v0 =	vimm.f32 $0.0e+00;
	s12 =	sadd.s32 $0x10000, s8;
	s14 =	sadd.s32 $0x33200, s14;
	s22 =	sshrl.u32 s8, $0x3  }
.LBB2_1:
0x11: {  	s23 =	simm.s32 $0x0;
	s24 =	simm.s32 $0x200  }
.LBB2_2:
0x12: {  	p0 =	sne.s32 s24, $0xFE00;
	[tilespmem:s23+$0x1F0] =	vst v0  }
0x13: {  	[tilespmem:s23+$0x180] =	vst v0  }
0x14: {  	[tilespmem:s23+$0x190] =	vst v0  }
.Ltmp0:
0x15: {  	[tilespmem:s23+$0x1A0] =	vst v0;
	(pc) =	sbr.rel @p0 .LBB2_2-.Ltmp0, $4  }
0x16: {  	[tilespmem:s23+$0x1B0] =	vst v0  }
0x17: {  	[tilespmem:s23+$0x1C0] =	vst v0  }
0x18: {  	[tilespmem:s23+$0x1D0] =	vst v0  }
0x19: {  	[tilespmem:s23+$0x1E0] =	vst v0;
	s23 =	sshra.s32 s24, $0x2;
	s24 =	sadd.s32 $0x200, s24  }
0x1a: {  	[tilespmem:s23+$0x1F0] =	vst v0  }
0x1b: {  	[tilespmem:s23+$0x180] =	vst v0  }
0x1c: {  	[tilespmem:s23+$0x190] =	vst v0  }
0x1d: {  	[tilespmem:s23+$0x1A0] =	vst v0  }
0x1e: {  	[tilespmem:s23+$0x1B0] =	vst v0  }
0x1f: {  	[tilespmem:s23+$0x1C0] =	vst v0  }
0x20: {  	[tilespmem:s23+$0x1D0] =	vst v0  }
0x21: {  	[tilespmem:s23+$0x1E0] =	vst v0  }
0x22: {  	[spmem:s8] =	stream.linear.scatter [tilespmem:s16], [sflag:$0x2], $0x4000, $0x38;
	[tilespmem:$0x17D80] =	vst v63  }
0x23: {  	_ =	swait.ge [sflag:s17], $0x4000  }
0x24: {  	[sflag:s17] =	ssyncset.done $0x0  }
0x25: {  	[sflag:s17] =	ssyncadd.s32 $0xFFFFC000  }
0x26: {  	[spmem:s9] =	stream.linear.scatter [tilespmem:s16], [sflag:$0x2], $0x4000, $0x38;
	[tilespmem:$0x17D80] =	vst v63  }
0x27: {  	_ =	swait.ge [sflag:s17], $0x4000  }
0x28: {  	[sflag:s17] =	ssyncset.done $0x0  }
0x29: {  	[sflag:s17] =	ssyncadd.s32 $0xFFFFC000  }
0x2a: {  	[spmem:s10] =	stream.linear.scatter [tilespmem:s16], [sflag:$0x2], $0x4000, $0x38;
	[tilespmem:$0x17D80] =	vst v63  }
0x2b: {  	_ =	swait.ge [sflag:s17], $0x4000  }
0x2c: {  	[sflag:s17] =	ssyncset.done $0x0  }
0x2d: {  	[sflag:s17] =	ssyncadd.s32 $0xFFFFC000  }
0x2e: {  	[spmem:s11] =	stream.linear.scatter [tilespmem:s16], [sflag:$0x2], $0x4000, $0x38;
	[tilespmem:$0x17D80] =	vst v63  }
0x2f: {  	_ =	swait.ge [sflag:s17], $0x4000  }
0x30: {  	[sflag:s17] =	ssyncset.done $0x0  }
0x31: {  	[sflag:s17] =	ssyncadd.s32 $0xFFFFC000  }
0x32: {  	[spmem:s12] =	stream.linear.scatter [tilespmem:s16], [sflag:$0x2], $0x3C00, $0x38;
	[tilespmem:$0x17D80] =	vst v63  }
0x33: {  	_ =	swait.ge [sflag:s17], $0x3C00  }
0x34: {  	[sflag:s17] =	ssyncset.done $0x0  }
0x35: {  	[sflag:s17] =	ssyncadd.s32 $0xFFFFC400  }
0x36: {  	s23 =	simm.s32 $0x0;
	s24 =	simm.s32 $0x0;
	[bflag:$0x0] =	sbarrier.arrive $0xFFFF  }
.LBB2_4:
0x37: {  	s25 =	sadd.s32 s13, s24  }
0x38: {  	s25 =	sshll.u32 s25, $0x4  }
0x39: {  	s26 =	sadd.s32 s0, s25  }
0x3a: {  	[tilespmem:s23], [sflag:$0x2] =	stream.linear.gather [hbm4b:s26+s23], $0x80, $0x38;
	[tilespmem:$0x17D80] =	vst v63  }
0x3b: {  	_ =	swait.ge [sflag:s17], $0x80  }
0x3c: {  	[sflag:s17] =	ssyncset.done $0x0  }
0x3d: {  	s31 =	sadd.s32 s3, s25;
	[sflag:s17] =	ssyncadd.s32 $0xFFFFFF80  }
0x3e: {  	[tilespmem:s18], [sflag:$0x2] =	stream.linear.gather [hbm4b:s31+s23], $0x80, $0x38;
	[tilespmem:$0x17D80] =	vst v63  }
0x3f: {  	_ =	swait.ge [sflag:s17], $0x80  }
0x40: {  	[sflag:s17] =	ssyncset.done $0x0  }
0x41: {  	s25 =	sadd.s32 s7, s25;
	[sflag:s17] =	ssyncadd.s32 $0xFFFFFF80  }
0x42: {  	[tilespmem:s19], [sflag:$0x2] =	stream.linear.gather [hbm4b:s25+s23], $0x80, $0x38;
	[tilespmem:$0x17D80] =	vst v63  }
0x43: {  	_ =	swait.ge [sflag:s17], $0x80  }
0x44: {  	[sflag:s17] =	ssyncset.done $0x0  }
0x45: {  	[sflag:s17] =	ssyncadd.s32 $0xFFFFFF80  }
0x46: {  	[tilespmem:s16], [sflag:$0x1] =	stream.indirect.gather [hbm4b:s6+s18], $0x80, s23, s18, $0xb8;
	[tilespmem:$0x17D80] =	vst v63  }
0x47: {  	_ =	swait.ge [sflag:s20], $0x4000  }
0x48: {  	v1 =	vmov s23;
	[sflag:s20] =	ssyncset.done $0x0  }
0x49: {  	s25 =	simm.s32 $0x1C0;
	[sflag:s20] =	ssyncadd.s32 $0xFFFFC000  }
0x4a: {  	v5 =	vld [tilespmem:s25+$0x30]  }
0x4b: {  	v8 =	vld [tilespmem:s25+$0x10]  }
0x4c: {  	v6 =	vld [tilespmem:s25+$0xFFFFFFC0]  }
0x4d: {  	v2 =	vld.idx.msk [tilespmem:v1+s19+$0x0], $0xffff  }
0x4e: {  	v10 =	vld [tilespmem:s25+$0xFFFFFFE0]  }
0x4f: {  	v1 =	vld [tilespmem:s25+$0xFFFFFFF0]  }
0x50: {  	v3 =	vld [tilespmem:s25+$0x20]  }
0x51: {  	v4 =	vld [tilespmem:s25+$0xFFFFFFD0]  }
0x52: {  	v9 =	vmul.f32 v5, v2;
	v5 =	vld [tilespmem:s25+$0x0]  }
0x53: {  	v7 =	vmul.f32 v6, v2  }
0x54: {  	s28 =	simm.s32 $0x1C0;
	s26 =	simm.s32 $0x1;
	v6 =	vmul.f32 v10, v2;
	v8 =	vmul.f32 v8, v2  }
.LBB2_5:
0x55: {  	p0 =	sne.s32 s26, $0x7F  }
0x56: {  	v4 =	vmul.f32 v4, v2;
	v3 =	vmul.f32 v3, v2;
	[tilespmem:s25+$0x30] =	vst v9;
	s28 =	sadd.s32 $0x80, s28;
	s29 =	smov.u32 s26;
	s26 =	sadd.s32 $0x1, s26  }
0x57: {  	[tilespmem:s25+$0xFFFFFFC0] =	vst v7;
	v7 =	vmul.f32 v1, v2;
	v2 =	vmul.f32 v5, v2  }
0x58: {  	[tilespmem:s25+$0x10] =	vst v8  }
0x59: {  	v5 =	vmov s29;
	[tilespmem:s25+$0xFFFFFFE0] =	vst v6  }
0x5a: {  	v1 =	vld [tilespmem:s28+$0xFFFFFFF0];
	[tilespmem:s25+$0xFFFFFFF0] =	vst v7  }
0x5b: {  	v6 =	vld [tilespmem:s28+$0x30];
	[tilespmem:s25+$0x0] =	vst v2  }
0x5c: {  	v8 =	vld [tilespmem:s28+$0x10];
	[tilespmem:s25+$0x20] =	vst v3  }
0x5d: {  	v7 =	vld [tilespmem:s28+$0xFFFFFFC0];
	[tilespmem:s25+$0xFFFFFFD0] =	vst v4;
	s25 =	smov.u32 s28  }
0x5e: {  	v2 =	vld.idx.msk [tilespmem:v5+s19+$0x0], $0xffff  }
0x5f: {  	v10 =	vld [tilespmem:s28+$0xFFFFFFE0]  }
0x60: {  	v3 =	vld [tilespmem:s28+$0x20]  }
.Ltmp1:
0x61: {  	v4 =	vld [tilespmem:s28+$0xFFFFFFD0];
	(pc) =	sbr.rel @p0 .LBB2_5-.Ltmp1, $3  }
0x62: {  	v5 =	vld [tilespmem:s28+$0x0];
	_ =	sdelay $0x1  }
0x63: {  	v7 =	vmul.f32 v7, v2;
	v9 =	vmul.f32 v6, v2  }
0x64: {  	v8 =	vmul.f32 v8, v2;
	v6 =	vmul.f32 v10, v2  }
0x65: {  	[tilespmem:s25+$0x30] =	vst v9  }
0x66: {  	[tilespmem:s25+$0xFFFFFFC0] =	vst v7  }
0x67: {  	v1 =	vmul.f32 v1, v2;
	[tilespmem:s25+$0x10] =	vst v8  }
0x68: {  	v3 =	vmul.f32 v3, v2;
	[tilespmem:s25+$0xFFFFFFE0] =	vst v6  }
0x69: {  	v5 =	vmul.f32 v5, v2;
	[tilespmem:s25+$0xFFFFFFF0] =	vst v1  }
0x6a: {  	s24 =	sadd.s32 $0x1, s24;
	v1 =	vmul.f32 v4, v2;
	[tilespmem:s25+$0x20] =	vst v3  }
0x6b: {  	p0 =	sne.s32 s24, $0x4F;
	[tilespmem:s25+$0x0] =	vst v5  }
.Ltmp2:
0x6c: {  	[tilespmem:s25+$0xFFFFFFD0] =	vst v1;
	(pc) =	sbr.rel @p0 .LBB2_4-.Ltmp2, $4  }
0x6d: {  	[spmem:s4] =	stream.indirect.scatter.add.f32 [tilespmem:s16], [sflag:$0x2], $0x80, s18, s18, $0xb8;
	[tilespmem:$0x17D80] =	vst v63  }
0x6e: {  	_ =	swait.ge [sflag:s17], $0x4000  }
0x6f: {  	[sflag:s17] =	ssyncset.done $0x0  }
0x70: {  	[sflag:s17] =	ssyncadd.s32 $0xFFFFC000  }
0x71: {  	s5 =	sadd.s32 $0x1, s5  }
0x72: {  	p0 =	sne.s32 s5, s15  }
.Ltmp3:
0x73: {  	[bflag:$0x0] =	sbarrier.arrive $0xFFFF;
	(pc) =	sbr.rel @p0 .LBB2_1-.Ltmp3, $4  }
0x74: {  	[hbm:s14], [sflag:s21] =	dma.local [spmem:s22], $0x2780  }
0x75: {  	_ =	swait.ge [sflag:s17], $0x2780  }
0x76: {  	[sflag:s17] =	ssyncset.done $0x0  }
0x77: {  	[sflag:s17] =	ssyncadd.s32 $0xFFFFD880  }
0x78: {  	_ =	sfence.sel $0x180000  }
0x79: {  	[bflag:$0x0] =	sbarrier.arrive $0xFFFF  }
0x7a: {  	p0 =	sne.s32 s2, $0x0;
	_ =	strace $0x9000004D  }
0x7b: {  	s0 =	sadd.s32 @!p0 $0x100000, s1;
	[bflag:$0x2] =	sbarrier.arrive $0xFFFF  }
0x7c: {  	[sflag:s0] =	ssyncadd.tile.s32 @!p0 $0x1;
	_ =	shalt  }
.Lfunc_end2:
_tile_overlayer_lowered:
.L_overlay_start_2:
0x7d: {  	(tag) =	ssettag $0x2  }
0x7e: {  	s0 =	rddreg [dreg:$0x0];
	s2 =	stileid.u32  }
0x7f: {  	s1 =	rddreg [dreg:$0x1];
	p0 =	sne.s32 s2, $0x0  }
0x80: {  	s3 =	rddreg [dreg:$0x2];
	[bflag:$0x3] =	sbarrier.arrive $0xFFFF;
	s2 =	simm.s32 @!p0 $0x1C02  }
0x81: {  	[timem:s3], [sflag:s2] =	dma.local @!p0 [hbm:s0], s1  }
0x82: {  	s0 =	simm.s32 @!p0 $0x2  }
0x83: {  	_ =	swait.ge @!p0 [sflag:s0], s1  }
0x84: {  	s1 =	ssub.s32 @!p0 $0x0, s1;
	[sflag:s0] =	ssyncset.done @!p0 $0x0  }
0x85: {  	[sflag:s0] =	ssyncadd.s32 @!p0 s1  }
0x86: {  	[bflag:$0x3] =	sbarrier.arrive $0xFFFF  }
0x87: {  	_ =	shalt  }

// kernel: kernel.8.cloned.1.call-start
scs
__scs_entry_jumppad:
0x0: {  	(pc) =	sbr.rel $0x88, $3  }
0x1: {  	(tag) =	ssettag $0x0;
	lr =	simm.s32 $0x1  }
0x2: {  	[smem:$0x3F9A] =	sst lr;
	_ =	strace $0xD0000000  }
0x3: {  	_ = 	snop  }
0x4: {  	_ = 	snop  }
0x5: {  	_ = 	snop  }
0x6: {  	_ = 	snop  }
0x7: {  	_ = 	snop  }
__scs_overlays_trampoline_lowered:
0x8: {  	[smem:$0x3FA9] =	sst s0  }
0x9: {  	[smem:$0x3FAA] =	sst s1  }
0xa: {  	[smem:$0x3FAB] =	sst s2  }
0xb: {  	[smem:$0x3FAC] =	sst s3  }
0xc: {  	[smem:$0x3FAD] =	sst s4  }
0xd: {  	[smem:$0x3FAE] =	sst s5  }
0xe: {  	[smem:$0x3FAF] =	sst s6  }
0xf: {  	[smem:$0x3FB0] =	sst s7  }
0x10: {  	[smem:$0x3FB1] =	sst s8  }
0x11: {  	[smem:$0x3FB2] =	sst s9;
	s0 =	simm.s32 @!p0 $0x0  }
0x12: {  	s1 =	sld [smem:$0x3F98];
	s0 =	simm.s32 @p0 $0x1  }
0x13: {  	[smem:$0x3FB3] =	sst s0;
	s0 =	simm.s32 @!p1 $0x0  }
0x14: {  	s2 =	sld [smem:$0x3F97];
	s0 =	simm.s32 @p1 $0x1  }
0x15: {  	[smem:$0x3FB4] =	sst s0;
	s0 =	simm.s32 @!p2 $0x0  }
0x16: {  	s3 =	sld [smem:$0x3FDB];
	s0 =	simm.s32 @p2 $0x1  }
0x17: {  	s4 =	simm.s32 $0x1BF5;
	[smem:$0x3FB6] =	sst s0  }
0x18: {  	s0 =	sld [smem:$0x3F99];
	_ =	swait.ge [sflag:s4], $0x0  }
0x19: {  	s7 =	sld [smem:$0x3F9A]  }
0x1a: {  	s8 =	sadd.s32 $0xFFFFE003, lr  }
0x1b: {  	s9 =	sadd.s32 $0xFFFFFEF7, lr;
	s5 =	simm.s32 $0xFFFFFFFF;
	p2 =	slt.u32 s8, $0xFFFFF086  }
0x1c: {  	p1 =	slt.u32 s9, $0xF7A;
	s5 =	simm.s32 @!p2 $0x0  }
0x1d: {  	s5 =	simm.s32 @p1 $0x1;
	p0 =	seq.s32 s7, s2  }
0x1e: {  	s7 =	smul.u32 @!p0 $0xF7A, s2;
	p2 =	seq.s32 @!p0 s5, $0x0  }
0x1f: {  	s9 =	smul.u32 $0xF7A, s1;
	s8 =	simm.s32 @!p0 $0x1BF5;
	p2 =	por !p2, p0  }
0x20: {  	[sflag:s8] =	ssyncset.s32 @!p0 $0xFFFFF086;
	s6 =	sadd.s32 @!p0 s3, s7;
	s7 =	simm.s32 @!p0 $0x108  }
0x21: {  	s3 =	sadd.s32 s3, s9;
	s6 =	sadd.s32 @!p0 $0x88, s6;
	s7 =	simm.s32 @p2 $0x1082  }
0x22: {  	[simem:s7], [sflag:s8] =	dma.local @!p0 [hbm:s6], $0xF7A  }
0x23: {  	s9 =	sor.u32 $0xD0000000, s2;
	s6 =	simm.s32 $0x108;
	_ =	swait.ge @!p0 [sflag:s8], $0x0  }
0x24: {  	s3 =	sadd.s32 $0x88, s3;
	s6 =	simm.s32 @!p1 $0x1082;
	[sflag:s4] =	ssyncset.s32 $0xFFFFF086  }
0x25: {  	[simem:s6], [sflag:s4] =	dma.local [hbm:s3], $0xF7A  }
0x26: {  	[smem:$0x3F9A] =	sst s1;
	(tag) =	ssettag s2;
	_ =	strace s9  }
0x27: {  	s1 =	sld [smem:$0x3FAA]  }
0x28: {  	s2 =	sld [smem:$0x3FAB]  }
0x29: {  	s4 =	sld [smem:$0x3FAD]  }
0x2a: {  	p0 =	seq.s32 s5, $0x0;
	s5 =	sld [smem:$0x3FAE]  }
0x2b: {  	s6 =	sld [smem:$0x3FAF]  }
0x2c: {  	s7 =	sld [smem:$0x3FB0]  }
0x2d: {  	s3 =	simm.s32 $0x108;
	s8 =	sld [smem:$0x3FB1]  }
0x2e: {  	s3 =	simm.s32 @!p0 $0x1082;
	s9 =	sld [smem:$0x3FB2]  }
0x2f: {  	lr =	sadd.s32 s0, s3;
	s0 =	sld [smem:$0x3FA9]  }
0x30: {  	s3 =	sld [smem:$0x3FAC]  }
0x31: {  	[smem:$0x3FB5] =	sst s10  }
0x32: {  	s10 =	sld [smem:$0x3FB3];
	_ =	sdelay $0x3  }
0x33: {  	p0 =	seq.s32 s10, $0x1;
	s10 =	sld [smem:$0x3FB5];
	_ =	sdelay $0x3  }
0x34: {  	[smem:$0x3FB5] =	sst s10  }
0x35: {  	s10 =	sld [smem:$0x3FB4];
	_ =	sdelay $0x3  }
0x36: {  	p1 =	seq.s32 s10, $0x1;
	s10 =	sld [smem:$0x3FB5];
	_ =	sdelay $0x3  }
0x37: {  	[smem:$0x3FB5] =	sst s10  }
0x38: {  	s10 =	sld [smem:$0x3FB6]  }
0x39: {  	_ = 	snop;
	(pc) =	sbr.ind lr, $3  }
0x3a: {  	_ = 	snop  }
0x3b: {  	_ = 	snop  }
0x3c: {  	p2 =	seq.s32 s10, $0x1;
	s10 =	sld [smem:$0x3FB5]  }
0x3d: {  	_ =	shalt  }
0x3e: {  	_ =	shalt  }
0x3f: {  	_ =	shalt  }
0x40: {  	_ =	shalt  }
0x41: {  	_ =	shalt  }
0x42: {  	_ =	shalt  }
0x43: {  	_ =	shalt  }
0x44: {  	_ =	shalt  }
0x45: {  	_ =	shalt  }
0x46: {  	_ =	shalt  }
0x47: {  	_ =	shalt  }
0x48: {  	_ =	shalt  }
0x49: {  	_ =	shalt  }
0x4a: {  	_ =	shalt  }
0x4b: {  	_ =	shalt  }
0x4c: {  	_ =	shalt  }
0x4d: {  	_ =	shalt  }
0x4e: {  	_ =	shalt  }
0x4f: {  	_ =	shalt  }
0x50: {  	_ =	shalt  }
0x51: {  	_ =	shalt  }
0x52: {  	_ =	shalt  }
0x53: {  	_ =	shalt  }
0x54: {  	_ =	shalt  }
0x55: {  	_ =	shalt  }
0x56: {  	_ =	shalt  }
0x57: {  	_ =	shalt  }
0x58: {  	_ =	shalt  }
0x59: {  	_ =	shalt  }
0x5a: {  	_ =	shalt  }
0x5b: {  	_ =	shalt  }
0x5c: {  	_ =	shalt  }
0x5d: {  	_ =	shalt  }
0x5e: {  	_ =	shalt  }
0x5f: {  	_ =	shalt  }
0x60: {  	_ =	shalt  }
0x61: {  	_ =	shalt  }
0x62: {  	_ =	shalt  }
0x63: {  	_ =	shalt  }
0x64: {  	_ =	shalt  }
0x65: {  	_ =	shalt  }
0x66: {  	_ =	shalt  }
0x67: {  	_ =	shalt  }
0x68: {  	_ =	shalt  }
0x69: {  	_ =	shalt  }
0x6a: {  	_ =	shalt  }
0x6b: {  	_ =	shalt  }
0x6c: {  	_ =	shalt  }
0x6d: {  	_ =	shalt  }
0x6e: {  	_ =	shalt  }
0x6f: {  	_ =	shalt  }
0x70: {  	_ =	shalt  }
0x71: {  	_ =	shalt  }
0x72: {  	_ =	shalt  }
0x73: {  	_ =	shalt  }
0x74: {  	_ =	shalt  }
0x75: {  	_ =	shalt  }
0x76: {  	_ =	shalt  }
0x77: {  	_ =	shalt  }
0x78: {  	_ =	shalt  }
0x79: {  	_ =	shalt  }
0x7a: {  	_ =	shalt  }
0x7b: {  	_ =	shalt  }
0x7c: {  	_ =	shalt  }
0x7d: {  	_ =	shalt  }
0x7e: {  	_ =	shalt  }
0x7f: {  	_ =	shalt  }
0x80: {  	_ =	shalt  }
0x81: {  	_ =	shalt  }
0x82: {  	_ =	shalt  }
0x83: {  	_ =	shalt  }
0x84: {  	_ =	shalt  }
0x85: {  	_ =	shalt  }
0x86: {  	_ =	shalt  }
0x87: {  	_ =	shalt  }
.Lfunc_end0:
.L_simem_size_0:
called_computation_lowered:
.L_overlay_start_0:
0x88: {  	s2 =	sld [smem:$0x3FD9]  }
0x89: {  	s3 =	sld [smem:$0x3FFE];
	_ =	sdelay $0x1  }
0x8a: {  	s1 =	srdreg.scid  }
0x8b: {  	s0 =	sand.u32 $0x1, s1  }
0x8c: {  	s14 =	sshll.u32 s0, $0xA;
	s2 =	sadd.s32 s3, s2  }
0x8d: {  	s2 =	sadd.s32 s2, s14  }
0x8e: {  	[smem:$0x3FC1] =	sst s2  }
0x8f: {  	_ = 	snop  }
0x90: {  	s2 =	sld [smem:$0x3FD0];
	_ =	sdelay $0x2  }
0x91: {  	s15 =	simm.s32 $0xA;
	s4 =	simm.s32 $0x10  }
0x92: {  	[smem:s4], [sflag:s15] =	dma.local [hbm:s2], $0x1  }
0x93: {  	_ =	swait.eq [sflag:s15], $0x1  }
0x94: {  	[sflag:s15] =	ssyncset.done $0x0  }
0x95: {  	[sflag:s15] =	ssyncadd.s32 $0xFFFFFFFF  }
0x96: {  	s16 =	sld [smem:$0x10];
	(tm) =	ssettm $0x1  }
0x97: {  	s17 =	sld [smem:$0x3FFB];
	_ =	sdelay $0x3  }
0x98: {  	_ =	strace s17  }
0x99: {  	s3 =	sld [smem:$0x3FFC];
	_ =	sdelay $0x3  }
0x9a: {  	_ =	strace s3  }
0x9b: {  	s3 =	sld [smem:$0x3FFD];
	_ =	sdelay $0x3  }
0x9c: {  	_ =	strace s3  }
0x9d: {  	_ =	strace $0x8FFFFFFF  }
0x9e: {  	s18 =	sld [smem:$0x3FDB];
	_ =	sdelay $0x1  }
0x9f: {  	s19 =	simm.s32 $_scs_section_size  }
0xa0: {  	s5 =	simm.s32 $_size__tile_overlayer_lowered;
	s6 =	simm.s32 $_tile_overlayer_lowered  }
0xa1: {  	s22 =	simm.s32 $0x1BFF;
	s21 =	sshll.u32 s6, $0x1;
	s3 =	sadd.s32 s19, s18  }
0xa2: {  	s7 =	simm.s32 $0x0;
	s20 =	sshll.u32 s5, $0x1;
	s5 =	sadd.s32 s21, s3  }
0xa3: {  	[timem:s7], [sflag:s22] =	dma.local [hbm:s5], s20  }
0xa4: {  	_ =	swait.ge [sflag:s22], s20  }
0xa5: {  	s4 =	ssub.s32 $0x0, s20;
	[sflag:s22] =	ssyncset.done $0x0  }
0xa6: {  	[sflag:s22] =	ssyncadd.s32 s4;
	_ =	sdelay $0x1  }
0xa7: {  	s23 =	simm.s32 $0x1B8B  }
0xa8: {  	_ =	swait.ge [sflag:s23], $0x1  }
0xa9: {  	[sflag:s23] =	ssyncset.done $0x0  }
0xaa: {  	s25 =	simm.s32 $0x1B8E;
	s24 =	sld [smem:$0x3FFE];
	[sflag:s23] =	ssyncadd.s32 $0xFFFFFFFF  }
0xab: {  	s26 =	simm.s32 $execute0_lowered;
	[smem:$0x3FD2] =	sst s25  }
0xac: {  	s5 =	sshll.u32 s26, $0x1;
	_ =	strace $0x80000046;
	[dreg:$0x1] =	wrdreg $0xFFFFFFFF  }
0xad: {  	s28 =	simm.s32 $_size_execute0_lowered;
	s3 =	sadd.s32 s3, s5;
	[dreg:$0x0] =	wrdreg $0x0  }
0xae: {  	s5 =	sshll.u32 s28, $0x1;
	[dreg:$0x2] =	wrdreg s3  }
0xaf: {  	[dreg:$0x3] =	wrdreg s5  }
0xb0: {  	[dreg:$0x4] =	wrdreg $0xC0  }
0xb1: {  	_ =	task [dreg:s7], $0x5FFFF  }
0xb2: {  	[dreg:$0x1] =	wrdreg $0xFFFFFFFF  }
0xb3: {  	[dreg:$0x0] =	wrdreg $0x60  }
0xb4: {  	[dreg:$0x2] =	wrdreg s16  }
0xb5: {  	[dreg:$0x3] =	wrdreg s24  }
0xb6: {  	[dreg:$0x4] =	wrdreg $0x41000  }
0xb7: {  	[dreg:$0x5] =	wrdreg $0x9  }
0xb8: {  	_ =	task.clear_ibuf [dreg:s7], $0x6FFFF;
	_ =	strace $0x90000046  }
0xb9: {  	s29 =	simm.s32 $0x9;
	_ =	strace $0x80000048  }
0xba: {  	_ =	swait.ge [sflag:s29], $0x1  }
0xbb: {  	[sflag:s29] =	ssyncadd.s32 $0xFFFFFFFF  }
0xbc: {  	_ =	strace $0x90000048  }
0xbd: {  	_ =	sfence  }
0xbe: {  	s30 =	sld [smem:$0x0];
	_ =	sdelay $0x2  }
0xbf: {  	s31 =	sshll.u32 s1, $0xD;
	s1 =	sshrl.u32 s1, $0x2  }
0xc0: {  	s3 =	sand.u32 $0x4000, s31;
	s1 =	sadd.s32 s1, s30  }
0xc1: {  	s0 =	sor.u32 s3, s0;
	s1 =	sshll.u32 s1, $0x11  }
0xc2: {  	s0 =	sor.u32 s1, s0  }
0xc3: {  	s0 =	sadd.s32 $0x8F2B, s0  }
0xc4: {  	[sflag:s0] =	ssyncadd.remote.s32 $0x1  }
0xc5: {  	_ =	sfence.sel $0xFFFF  }
0xc6: {  	[dreg:$0x0] =	wrdreg $0xFFFFFFFF;
	(pc) =	sbr.abs _section_cstart, $3  }
0xc7: {  	[dreg:$0x1] =	wrdreg $0xFFFFFFFF  }
0xc8: {  	_ =	task.clear_ibuf [dreg:s7], $0x2FFFF;
	_ =	strace $0x9FFFFFFF  }
0xc9: {  	(tm) =	ssettm $0x7FFFFFFF  }
tec
execute0_lowered:
.L_overlay_start_1:
0x0: {  	(tag) =	ssettag $0x1  }
0x1: {  	s0 =	rddreg [dreg:$0x0]  }
0x2: {  	s6 =	rddreg [dreg:$0x1];
	s1 =	srdreg.scid  }
0x3: {  	s3 =	rddreg [dreg:$0x2];
	s2 =	stileid.u32  }
0x4: {  	s4 =	simm.s32 $0x0;
	s14 =	simm.s32 $0x100;
	s15 =	simm.s32 $0x1  }
0x5: {  	s16 =	simm.s32 $0x80;
	s19 =	simm.s32 $0x0;
	s8 =	smul.u32 $0x13C00, s2  }
0x6: {  	s7 =	sand.u32 $0x1, s1;
	s1 =	rddreg [dreg:$0x3];
	s9 =	smul.u32 $0x4F000, s2  }
0x7: {  	[smem:$0x7FF] =	sst s4;
	s17 =	sshll.u32 s2, $0x6;
	s5 =	smul.u32 $0x13C000, s7  }
0x8: {  	_ =	strace $0x80000047;
	s10 =	ssub.s32 $0x2, s7;
	s7 =	sshll.u32 s7, $0x4  }
0x9: {  	s17 =	sor.u32 $0x1C01, s17;
	s30 =	sshrl.u32 s10, $0x1;
	s31 =	sshrl.u32 s9, $0x2  }
0xa: {  	s11 =	sor.u32 s2, s7;
	s8 =	sadd.s32 s8, s5;
	s5 =	sadd.s32 $0x2200, s6  }
0xb: {  	s13 =	ssub.s32 s10, s30;
	s11 =	smul.u32 $0x4F, s11;
	s8 =	sshrl.u32 s8, $0x3  }
0xc: {  	s13 =	smax.u32 s13, $0x1;
	s12 =	sadd.s32 s8, s6;
	s6 =	sadd.s32 s31, s3  }
0xd: {  	s7 =	sadd.s32 $0x4000, s6;
	s8 =	sadd.s32 $0x8000, s6;
	s9 =	sadd.s32 $0xC000, s6  }
0xe: {  	v0 =	vimm.f32 $0.0e+00;
	s10 =	sadd.s32 $0x10000, s6;
	s12 =	sadd.s32 $0xC000, s12;
	s18 =	sshrl.u32 s6, $0x3  }
.LBB2_1:
0xf: {  	s20 =	simm.s32 $0x0;
	s21 =	simm.s32 $0x200  }
.LBB2_2:
0x10: {  	p0 =	sne.s32 s21, $0xFE00;
	[tilespmem:s20+$0x170] =	vst v0  }
0x11: {  	[tilespmem:s20+$0x100] =	vst v0  }
0x12: {  	[tilespmem:s20+$0x110] =	vst v0  }
.Ltmp0:
0x13: {  	[tilespmem:s20+$0x120] =	vst v0;
	(pc) =	sbr.rel @p0 .LBB2_2-.Ltmp0, $4  }
0x14: {  	[tilespmem:s20+$0x130] =	vst v0  }
0x15: {  	[tilespmem:s20+$0x140] =	vst v0  }
0x16: {  	[tilespmem:s20+$0x150] =	vst v0  }
0x17: {  	[tilespmem:s20+$0x160] =	vst v0;
	s20 =	sshra.s32 s21, $0x2;
	s21 =	sadd.s32 $0x200, s21  }
0x18: {  	[tilespmem:s20+$0x170] =	vst v0  }
0x19: {  	[tilespmem:s20+$0x100] =	vst v0  }
0x1a: {  	[tilespmem:s20+$0x110] =	vst v0  }
0x1b: {  	[tilespmem:s20+$0x120] =	vst v0  }
0x1c: {  	[tilespmem:s20+$0x130] =	vst v0  }
0x1d: {  	[tilespmem:s20+$0x140] =	vst v0  }
0x1e: {  	[tilespmem:s20+$0x150] =	vst v0  }
0x1f: {  	[tilespmem:s20+$0x160] =	vst v0  }
0x20: {  	[spmem:s6] =	stream.linear.scatter [tilespmem:s14], [sflag:$0x1], $0x4000, $0x38;
	[tilespmem:$0x17D00] =	vst v63  }
0x21: {  	_ =	swait.ge [sflag:s15], $0x4000  }
0x22: {  	[sflag:s15] =	ssyncset.done $0x0  }
0x23: {  	[sflag:s15] =	ssyncadd.s32 $0xFFFFC000  }
0x24: {  	[spmem:s7] =	stream.linear.scatter [tilespmem:s14], [sflag:$0x1], $0x4000, $0x38;
	[tilespmem:$0x17D00] =	vst v63  }
0x25: {  	_ =	swait.ge [sflag:s15], $0x4000  }
0x26: {  	[sflag:s15] =	ssyncset.done $0x0  }
0x27: {  	[sflag:s15] =	ssyncadd.s32 $0xFFFFC000  }
0x28: {  	[spmem:s8] =	stream.linear.scatter [tilespmem:s14], [sflag:$0x1], $0x4000, $0x38;
	[tilespmem:$0x17D00] =	vst v63  }
0x29: {  	_ =	swait.ge [sflag:s15], $0x4000  }
0x2a: {  	[sflag:s15] =	ssyncset.done $0x0  }
0x2b: {  	[sflag:s15] =	ssyncadd.s32 $0xFFFFC000  }
0x2c: {  	[spmem:s9] =	stream.linear.scatter [tilespmem:s14], [sflag:$0x1], $0x4000, $0x38;
	[tilespmem:$0x17D00] =	vst v63  }
0x2d: {  	_ =	swait.ge [sflag:s15], $0x4000  }
0x2e: {  	[sflag:s15] =	ssyncset.done $0x0  }
0x2f: {  	[sflag:s15] =	ssyncadd.s32 $0xFFFFC000  }
0x30: {  	[spmem:s10] =	stream.linear.scatter [tilespmem:s14], [sflag:$0x1], $0x3C00, $0x38;
	[tilespmem:$0x17D00] =	vst v63  }
0x31: {  	_ =	swait.ge [sflag:s15], $0x3C00  }
0x32: {  	[sflag:s15] =	ssyncset.done $0x0  }
0x33: {  	[sflag:s15] =	ssyncadd.s32 $0xFFFFC400  }
0x34: {  	s20 =	simm.s32 $0x0;
	s21 =	simm.s32 $0x0;
	[bflag:$0x0] =	sbarrier.arrive $0xFFFF  }
.LBB2_4:
0x35: {  	s22 =	sadd.s32 s11, s21  }
0x36: {  	s22 =	sshll.u32 s22, $0x4  }
0x37: {  	s23 =	sadd.s32 s0, s22  }
0x38: {  	[tilespmem:s20], [sflag:$0x1] =	stream.linear.gather [hbm4b:s23+s20], $0x80, $0x38;
	[tilespmem:$0x17D00] =	vst v63  }
0x39: {  	_ =	swait.ge [sflag:s15], $0x80  }
0x3a: {  	[sflag:s15] =	ssyncset.done $0x0  }
0x3b: {  	v1 =	vmov s20;
	s22 =	sadd.s32 s5, s22;
	[sflag:s15] =	ssyncadd.s32 $0xFFFFFF80  }
0x3c: {  	[tilespmem:s16], [sflag:$0x1] =	stream.linear.gather [hbm4b:s22+s20], $0x80, $0x38;
	[tilespmem:$0x17D00] =	vst v63  }
0x3d: {  	_ =	swait.ge [sflag:s15], $0x80  }
0x3e: {  	[sflag:s15] =	ssyncset.done $0x0  }
0x3f: {  	[sflag:s15] =	ssyncadd.s32 $0xFFFFFF80  }
0x40: {  	s30 =	simm.s32 $0x1;
	v1 =	vld.idx.msk [tilespmem:v1+s16+$0x0], $0xffff  }
0x41: {  	v2 =	vmov s30;
	_ =	sdelay $0x2  }
0x42: {  	s22 =	simm.s32 $0x100  }
0x43: {  	[tilespmem:s22+$0x0] =	vst v1  }
0x44: {  	s31 =	simm.s32 $0x2;
	v1 =	vld.idx.msk [tilespmem:v2+s16+$0x0], $0xffff  }
0x45: {  	s23 =	simm.s32 $0x3;
	v2 =	vmov s31  }
.LBB2_5:
0x46: {  	p0 =	sne.s32 s23, $0x7F;
	_ =	sdelay $0x1  }
.Ltmp1:
0x47: {  	s22 =	sadd.s32 $0x80, s22;
	(pc) =	sbr.rel @p0 .LBB2_5-.Ltmp1, $3  }
0x48: {  	[tilespmem:s22+$0x0] =	vst v1  }
0x49: {  	v1 =	vld.idx.msk [tilespmem:v2+s16+$0x0], $0xffff;
	_ =	sdelay $0x1  }
0x4a: {  	v2 =	vmov s23;
	s23 =	sadd.s32 $0x1, s23  }
0x4b: {  	_ =	sdelay $0x1  }
0x4c: {  	s22 =	sadd.s32 $0x80, s22  }
0x4d: {  	[tilespmem:s22+$0x0] =	vst v1  }
0x4e: {  	v1 =	vld.idx.msk [tilespmem:v2+s16+$0x0], $0xffff;
	_ =	sdelay $0x2  }
0x4f: {  	s21 =	sadd.s32 $0x1, s21  }
0x50: {  	p0 =	sne.s32 s21, $0x4F;
	s22 =	sadd.s32 $0x80, s22  }
.Ltmp2:
0x51: {  	[tilespmem:s22+$0x0] =	vst v1;
	(pc) =	sbr.rel @p0 .LBB2_4-.Ltmp2, $4  }
0x52: {  	[spmem:s3] =	stream.indirect.scatter.add.f32 [tilespmem:s14], [sflag:$0x1], $0x80, s4, s16, $0xb8;
	[tilespmem:$0x17D00] =	vst v63  }
0x53: {  	_ =	swait.ge [sflag:s15], $0x4000  }
0x54: {  	[sflag:s15] =	ssyncset.done $0x0  }
0x55: {  	[sflag:s15] =	ssyncadd.s32 $0xFFFFC000  }
0x56: {  	s19 =	sadd.s32 $0x1, s19  }
0x57: {  	p0 =	sne.s32 s19, s13  }
.Ltmp3:
0x58: {  	[bflag:$0x0] =	sbarrier.arrive $0xFFFF;
	(pc) =	sbr.rel @p0 .LBB2_1-.Ltmp3, $4  }
0x59: {  	[hbm:s12], [sflag:s17] =	dma.local [spmem:s18], $0x2780  }
0x5a: {  	_ =	swait.ge [sflag:s15], $0x2780  }
0x5b: {  	[sflag:s15] =	ssyncset.done $0x0  }
0x5c: {  	[sflag:s15] =	ssyncadd.s32 $0xFFFFD880  }
0x5d: {  	_ =	sfence.sel $0x180000  }
0x5e: {  	[bflag:$0x0] =	sbarrier.arrive $0xFFFF  }
0x5f: {  	p0 =	sne.s32 s2, $0x0;
	_ =	strace $0x90000047  }
0x60: {  	s0 =	sadd.s32 @!p0 $0x100000, s1;
	[bflag:$0x2] =	sbarrier.arrive $0xFFFF  }
0x61: {  	[sflag:s0] =	ssyncadd.tile.s32 @!p0 $0x1;
	_ =	shalt  }
.Lfunc_end2:
_tile_overlayer_lowered:
.L_overlay_start_2:
0x62: {  	(tag) =	ssettag $0x2  }
0x63: {  	s0 =	rddreg [dreg:$0x0];
	s2 =	stileid.u32  }
0x64: {  	s1 =	rddreg [dreg:$0x1];
	p0 =	sne.s32 s2, $0x0  }
0x65: {  	s3 =	rddreg [dreg:$0x2];
	[bflag:$0x3] =	sbarrier.arrive $0xFFFF;
	s2 =	simm.s32 @!p0 $0x1C01  }
0x66: {  	[timem:s3], [sflag:s2] =	dma.local @!p0 [hbm:s0], s1  }
0x67: {  	s0 =	simm.s32 @!p0 $0x1  }
0x68: {  	_ =	swait.ge @!p0 [sflag:s0], s1  }
0x69: {  	s1 =	ssub.s32 @!p0 $0x0, s1;
	[sflag:s0] =	ssyncset.done @!p0 $0x0  }
0x6a: {  	[sflag:s0] =	ssyncadd.s32 @!p0 s1  }
0x6b: {  	[bflag:$0x3] =	sbarrier.arrive $0xFFFF  }
0x6c: {  	_ =	shalt  }

</sc_bundles>
